<compile_context>
chip_gen: v7x
topology: tpu7x:2x2x1
jax: 0.10.2.dev20260603
libtpu: 0.0.44.dev20260713+nightly
codegen_flags: <defaults>
</compile_context>

<pallas_src>
import functools

import jax
import jax.numpy as jnp
from jax import lax
from jax.experimental import pallas as pl
from jax.experimental.pallas import tpu as pltpu
from jax.experimental.pallas import tpu_sc as plsc

D_MODEL = 1024
VOCAB = 32000
BATCH = 4
SEQ = 2048
IMG_LEN = 256

NTOK = BATCH * SEQ
NSPLIT = 2
PART = NTOK // NSPLIT
NC, NS = 2, 16
NW = NC * NS
PER_W = PART // NW
CHUNK = 64
NCHUNK = PER_W // CHUNK

OUT_ROWS = BATCH * (IMG_LEN + SEQ)
BLK = 256
BPB = (IMG_LEN + SEQ) // BLK
IMG_BLOCKS = BATCH * IMG_LEN // BLK
EMB_BLOCKS_P = PART // BLK


@functools.lru_cache(maxsize=None)
def _build_gather(part: int):
    mesh = plsc.VectorSubcoreMesh(core_axis_name="c", subcore_axis_name="s")

    @functools.partial(
        pl.kernel,
        mesh=mesh,
        out_type=jax.ShapeDtypeStruct((PART, D_MODEL), jnp.float32),
        scratch_types=[
            pltpu.VMEM((CHUNK,), jnp.int32),
            pltpu.VMEM((CHUNK, D_MODEL), jnp.float32),
            pltpu.SemaphoreType.DMA,
        ],
    )
    def _gather(ids_hbm, table_hbm, out_hbm, idx_v, rows_v, sem):
        wid = lax.axis_index("s") * NC + lax.axis_index("c")
        base = wid * PER_W
        for c in range(NCHUNK):
            off = base + c * CHUNK
            pltpu.sync_copy(ids_hbm.at[pl.ds(part * PART + off, CHUNK)], idx_v)
            pltpu.async_copy(table_hbm.at[idx_v], rows_v, sem).wait()
            pltpu.sync_copy(rows_v, out_hbm.at[pl.ds(off, CHUNK)])

    return _gather


def _mm_img_body(img_ref, w_ref, b_ref, out_ref, wbf_ref):
    w_bf = w_ref[...].astype(jnp.bfloat16)
    wbf_ref[...] = w_bf
    x = img_ref[...].astype(jnp.bfloat16)
    out_ref[...] = (
        jnp.dot(x, w_bf, preferred_element_type=jnp.float32) + b_ref[...]
    )


def _mm_emb_body(prev_ref, emb_ref, w_ref, b_ref, out_ref):
    del prev_ref
    x = emb_ref[...].astype(jnp.bfloat16)
    out_ref[...] = (
        jnp.dot(x, w_ref[...], preferred_element_type=jnp.float32) + b_ref[...]
    )


@functools.lru_cache(maxsize=None)
def _build_mm_img():
    return pl.pallas_call(
        _mm_img_body,
        grid=(IMG_BLOCKS,),
        in_specs=[
            pl.BlockSpec((BLK, D_MODEL), lambda j: (j, 0)),
            pl.BlockSpec((D_MODEL, D_MODEL), lambda j: (0, 0)),
            pl.BlockSpec((1, D_MODEL), lambda j: (0, 0)),
        ],
        out_specs=[
            pl.BlockSpec((BLK, D_MODEL), lambda j: (j * BPB, 0)),
            pl.BlockSpec((D_MODEL, D_MODEL), lambda j: (0, 0)),
        ],
        out_shape=[
            jax.ShapeDtypeStruct((OUT_ROWS, D_MODEL), jnp.float32),
            jax.ShapeDtypeStruct((D_MODEL, D_MODEL), jnp.bfloat16),
        ],
        compiler_params=pltpu.CompilerParams(
            dimension_semantics=("arbitrary",),
        ),
    )


@functools.lru_cache(maxsize=None)
def _build_mm_emb(part: int):
    def out_map(j, part=part):
        return ((part * 2 + j // 8) * BPB + 1 + j % 8, 0)

    return pl.pallas_call(
        _mm_emb_body,
        grid=(EMB_BLOCKS_P,),
        in_specs=[
            pl.BlockSpec(memory_space=pl.ANY),
            pl.BlockSpec((BLK, D_MODEL), lambda j: (j, 0)),
            pl.BlockSpec((D_MODEL, D_MODEL), lambda j: (0, 0)),
            pl.BlockSpec((1, D_MODEL), lambda j: (0, 0)),
        ],
        out_specs=pl.BlockSpec((BLK, D_MODEL), out_map),
        out_shape=jax.ShapeDtypeStruct((OUT_ROWS, D_MODEL), jnp.float32),
        input_output_aliases={0: 0},
        compiler_params=pltpu.CompilerParams(
            dimension_semantics=("arbitrary",),
        ),
    )


def kernel(input_ids, image_features, table, W, b):
    ids_flat = input_ids.reshape(NTOK)
    embs = [_build_gather(q)(ids_flat, table) for q in range(NSPLIT)]
    img2d = image_features.reshape(BATCH * IMG_LEN, D_MODEL)
    b2d = b.reshape(1, D_MODEL)
    out, w_bf = _build_mm_img()(img2d, W, b2d)
    for q in range(NSPLIT):
        out = _build_mm_emb(q)(out, embs[q], w_bf, b2d)
    return out.reshape(BATCH, IMG_LEN + SEQ, D_MODEL)

# --- scband reference (transcript-rebuilt; emitter-appended) ---
"""Pipeline reference for scband-mock-mmco-t-71476845740553 (READ-ONLY COPY).

The authoritative reference and input builder live on the scoring server;
editing this copy changes nothing except your own understanding.
"""

import jax, jax.numpy as jnp
import numpy as np

D_MODEL = 1024
VOCAB = 32000
BATCH = 4
SEQ = 2048
IMG_LEN = 256

def setup_inputs(seed: int = 0) -> dict:
    key = jax.random.key(seed)
    k1, k2, k3, k4 = jax.random.split(key, 4)
    input_ids = jax.random.randint(k1, (BATCH, SEQ), 0, VOCAB, dtype=jnp.int64 if jax.config.jax_enable_x64 else jnp.int32).astype(jnp.int32)
    image_features = jax.random.normal(k2, (BATCH, IMG_LEN, D_MODEL), dtype=jnp.float32)
    # learned parameters
    table = jax.random.normal(k3, (VOCAB, D_MODEL), dtype=jnp.float32) * 0.02
    W = jax.random.normal(k4, (D_MODEL, D_MODEL), dtype=jnp.float32) * 0.02
    b = jnp.zeros((D_MODEL,), dtype=jnp.float32)
    return {"input_ids": input_ids, "image_features": image_features, "table": table, "W": W, "b": b}

def reference(input_ids, image_features, table, W, b):
    # nn.Embedding lookup -> row gather from table
    inputs_embeds = jnp.take(table, input_ids, axis=0)  # [B, S, D]
    # hardcoded fusion: concat image features before text embeddings along seq dim
    combined = jnp.concatenate([image_features, inputs_embeds], axis=1)  # [B, IMG_LEN + S, D]
    # nn.Linear encoder: x @ W + b (W stored as [in, out])
    out = combined @ W + b
    return out

if __name__ == "__main__":
    import jax
    _d = setup_inputs()
    print(jax.jit(kernel)(*tuple(_d.values())))

</pallas_src>

<mosaic_0001>
#map = affine_map<(d0, d1) -> (0)>
#map1 = affine_map<(d0, d1) -> (0, 0)>
module attributes {stable_mosaic.version = 14 : i64} {
  func.func @_gather(%arg0: i32, %arg1: i32, %arg2: memref<8192xi32, #tpu.memory_space<hbm>>, %arg3: memref<32000x1024xf32, #tpu.memory_space<hbm>>, %arg4: memref<4096x1024xf32, #tpu.memory_space<hbm>>, %arg5: memref<64xi32, #tpu.memory_space<vmem>>, %arg6: memref<64x1024xf32, #tpu.memory_space<vmem>>, %arg7: memref<!tpu.dma_semaphore, #tpu.memory_space<semaphore_mem>>) attributes {dimension_semantics = [#tpu.dimension_semantics<core_parallel>, #tpu.dimension_semantics<subcore_parallel>], iteration_bounds = array<i64: 2, 16>, scalar_prefetch = 0 : i64, scratch_operands = 3 : i64, tpu.core_type = #tpu.core_type<sc_vector_subcore>, window_params = [{transform_indices = #map}, {transform_indices = #map1}, {transform_indices = #map1}]} {
    %mul3A = arith.constant 2 : i32
    %mul3A_0 = arith.muli %arg1, %mul3A : i32
    %add3A = arith.addi %mul3A_0, %arg0 : i32
    %mul3A_1 = arith.constant 128 : i32
    %mul3A_2 = arith.muli %add3A, %mul3A_1 : i32
    %add3A_3 = arith.constant 0 : i32
    %add3A_4 = arith.addi %mul3A_2, %add3A_3 : i32
    %add3A_5 = arith.constant 4096 : i32
    %add3A_6 = arith.addi %add3A_5, %add3A_4 : i32
    "tpu.region"() ({
      %run_scoped3A = tpu.sem_alloc : memref<!tpu.dma_semaphore, #tpu.memory_space<semaphore_mem>>
      %dma_start3A_21 = tpu.memref_slice %arg2[%add3A_6] : memref<8192xi32, #tpu.memory_space<hbm>> -> memref<64xi32, #tpu.memory_space<hbm>>
      %dma_start3A_22 = tpu.memref_slice %arg2[%add3A_6] : memref<8192xi32, #tpu.memory_space<hbm>> -> memref<64xi32, #tpu.memory_space<hbm>>
      tpu.enqueue_dma source(%dma_start3A_22 : memref<64xi32, #tpu.memory_space<hbm>>) target(%arg5 : memref<64xi32, #tpu.memory_space<vmem>>) target_semaphore(%run_scoped3A : memref<!tpu.dma_semaphore, #tpu.memory_space<semaphore_mem>>)
      %dma_wait3A_23 = tpu.memref_slice %arg2[%add3A_6] : memref<8192xi32, #tpu.memory_space<hbm>> -> memref<64xi32, #tpu.memory_space<hbm>>
      %dma_wait3A_24 = tpu.memref_slice %arg2[%add3A_6] : memref<8192xi32, #tpu.memory_space<hbm>> -> memref<64xi32, #tpu.memory_space<hbm>>
      tpu.wait_dma2 semaphore(%run_scoped3A : memref<!tpu.dma_semaphore, #tpu.memory_space<semaphore_mem>>) src(%dma_wait3A_24 : memref<64xi32, #tpu.memory_space<hbm>>) dst(%arg5 : memref<64xi32, #tpu.memory_space<vmem>>)
      tpu.yield
    }) : () -> ()
    %dma_start3A = arith.constant 0 : i32
    %dma_start3A_7 = arith.constant 0 : i32
    %dma_start3A_8 = tpu.memref_slice %arg3[%dma_start3A, %dma_start3A_7] : memref<32000x1024xf32, #tpu.memory_space<hbm>> -> memref<32000x1024xf32, #tpu.memory_space<hbm>>
    tpu.enqueue_indirect_dma source(%dma_start3A_8 : memref<32000x1024xf32, #tpu.memory_space<hbm>>) target(%arg6 : memref<64x1024xf32, #tpu.memory_space<vmem>>) offsets(%arg5 : memref<64xi32, #tpu.memory_space<vmem>>) semaphore(%arg7 : memref<!tpu.dma_semaphore, #tpu.memory_space<semaphore_mem>>)
    %dma_wait3A = arith.constant 0 : i32
    %dma_wait3A_9 = arith.constant 0 : i32
    %dma_wait3A_10 = tpu.memref_slice %arg3[%dma_wait3A, %dma_wait3A_9] : memref<32000x1024xf32, #tpu.memory_space<hbm>> -> memref<32000x1024xf32, #tpu.memory_space<hbm>>
    tpu.wait_indirect_dma semaphore(%arg7 : memref<!tpu.dma_semaphore, #tpu.memory_space<semaphore_mem>>) src(%dma_wait3A_10 : memref<32000x1024xf32, #tpu.memory_space<hbm>>) dst(%arg6 : memref<64x1024xf32, #tpu.memory_space<vmem>>)
    "tpu.region"() ({
      %run_scoped3A = tpu.sem_alloc : memref<!tpu.dma_semaphore, #tpu.memory_space<semaphore_mem>>
      %dma_start3A_21 = arith.constant 0 : i32
      %dma_start3A_22 = tpu.memref_slice %arg4[%add3A_4, %dma_start3A_21] : memref<4096x1024xf32, #tpu.memory_space<hbm>> -> memref<64x1024xf32, #tpu.memory_space<hbm>>
      %dma_start3A_23 = arith.constant 0 : i32
      %dma_start3A_24 = tpu.memref_slice %arg4[%add3A_4, %dma_start3A_23] : memref<4096x1024xf32, #tpu.memory_space<hbm>> -> memref<64x1024xf32, #tpu.memory_space<hbm>>
      tpu.enqueue_dma source(%arg6 : memref<64x1024xf32, #tpu.memory_space<vmem>>) target(%dma_start3A_24 : memref<64x1024xf32, #tpu.memory_space<hbm>>) target_semaphore(%run_scoped3A : memref<!tpu.dma_semaphore, #tpu.memory_space<semaphore_mem>>)
      %dma_wait3A_25 = arith.constant 0 : i32
      %dma_wait3A_26 = tpu.memref_slice %arg4[%add3A_4, %dma_wait3A_25] : memref<4096x1024xf32, #tpu.memory_space<hbm>> -> memref<64x1024xf32, #tpu.memory_space<hbm>>
      %dma_wait3A_27 = arith.constant 0 : i32
      %dma_wait3A_28 = tpu.memref_slice %arg4[%add3A_4, %dma_wait3A_27] : memref<4096x1024xf32, #tpu.memory_space<hbm>> -> memref<64x1024xf32, #tpu.memory_space<hbm>>
      tpu.wait_dma2 semaphore(%run_scoped3A : memref<!tpu.dma_semaphore, #tpu.memory_space<semaphore_mem>>) src(%arg6 : memref<64x1024xf32, #tpu.memory_space<vmem>>) dst(%dma_wait3A_28 : memref<64x1024xf32, #tpu.memory_space<hbm>>)
      tpu.yield
    }) : () -> ()
    %add3A_11 = arith.constant 64 : i32
    %add3A_12 = arith.addi %mul3A_2, %add3A_11 : i32
    %add3A_13 = arith.constant 4096 : i32
    %add3A_14 = arith.addi %add3A_13, %add3A_12 : i32
    "tpu.region"() ({
      %run_scoped3A = tpu.sem_alloc : memref<!tpu.dma_semaphore, #tpu.memory_space<semaphore_mem>>
      %dma_start3A_21 = tpu.memref_slice %arg2[%add3A_14] : memref<8192xi32, #tpu.memory_space<hbm>> -> memref<64xi32, #tpu.memory_space<hbm>>
      %dma_start3A_22 = tpu.memref_slice %arg2[%add3A_14] : memref<8192xi32, #tpu.memory_space<hbm>> -> memref<64xi32, #tpu.memory_space<hbm>>
      tpu.enqueue_dma source(%dma_start3A_22 : memref<64xi32, #tpu.memory_space<hbm>>) target(%arg5 : memref<64xi32, #tpu.memory_space<vmem>>) target_semaphore(%run_scoped3A : memref<!tpu.dma_semaphore, #tpu.memory_space<semaphore_mem>>)
      %dma_wait3A_23 = tpu.memref_slice %arg2[%add3A_14] : memref<8192xi32, #tpu.memory_space<hbm>> -> memref<64xi32, #tpu.memory_space<hbm>>
      %dma_wait3A_24 = tpu.memref_slice %arg2[%add3A_14] : memref<8192xi32, #tpu.memory_space<hbm>> -> memref<64xi32, #tpu.memory_space<hbm>>
      tpu.wait_dma2 semaphore(%run_scoped3A : memref<!tpu.dma_semaphore, #tpu.memory_space<semaphore_mem>>) src(%dma_wait3A_24 : memref<64xi32, #tpu.memory_space<hbm>>) dst(%arg5 : memref<64xi32, #tpu.memory_space<vmem>>)
      tpu.yield
    }) : () -> ()
    %dma_start3A_15 = arith.constant 0 : i32
    %dma_start3A_16 = arith.constant 0 : i32
    %dma_start3A_17 = tpu.memref_slice %arg3[%dma_start3A_15, %dma_start3A_16] : memref<32000x1024xf32, #tpu.memory_space<hbm>> -> memref<32000x1024xf32, #tpu.memory_space<hbm>>
    tpu.enqueue_indirect_dma source(%dma_start3A_17 : memref<32000x1024xf32, #tpu.memory_space<hbm>>) target(%arg6 : memref<64x1024xf32, #tpu.memory_space<vmem>>) offsets(%arg5 : memref<64xi32, #tpu.memory_space<vmem>>) semaphore(%arg7 : memref<!tpu.dma_semaphore, #tpu.memory_space<semaphore_mem>>)
    %dma_wait3A_18 = arith.constant 0 : i32
    %dma_wait3A_19 = arith.constant 0 : i32
    %dma_wait3A_20 = tpu.memref_slice %arg3[%dma_wait3A_18, %dma_wait3A_19] : memref<32000x1024xf32, #tpu.memory_space<hbm>> -> memref<32000x1024xf32, #tpu.memory_space<hbm>>
    tpu.wait_indirect_dma semaphore(%arg7 : memref<!tpu.dma_semaphore, #tpu.memory_space<semaphore_mem>>) src(%dma_wait3A_20 : memref<32000x1024xf32, #tpu.memory_space<hbm>>) dst(%arg6 : memref<64x1024xf32, #tpu.memory_space<vmem>>)
    "tpu.region"() ({
      %run_scoped3A = tpu.sem_alloc : memref<!tpu.dma_semaphore, #tpu.memory_space<semaphore_mem>>
      %dma_start3A_21 = arith.constant 0 : i32
      %dma_start3A_22 = tpu.memref_slice %arg4[%add3A_12, %dma_start3A_21] : memref<4096x1024xf32, #tpu.memory_space<hbm>> -> memref<64x1024xf32, #tpu.memory_space<hbm>>
      %dma_start3A_23 = arith.constant 0 : i32
      %dma_start3A_24 = tpu.memref_slice %arg4[%add3A_12, %dma_start3A_23] : memref<4096x1024xf32, #tpu.memory_space<hbm>> -> memref<64x1024xf32, #tpu.memory_space<hbm>>
      tpu.enqueue_dma source(%arg6 : memref<64x1024xf32, #tpu.memory_space<vmem>>) target(%dma_start3A_24 : memref<64x1024xf32, #tpu.memory_space<hbm>>) target_semaphore(%run_scoped3A : memref<!tpu.dma_semaphore, #tpu.memory_space<semaphore_mem>>)
      %dma_wait3A_25 = arith.constant 0 : i32
      %dma_wait3A_26 = tpu.memref_slice %arg4[%add3A_12, %dma_wait3A_25] : memref<4096x1024xf32, #tpu.memory_space<hbm>> -> memref<64x1024xf32, #tpu.memory_space<hbm>>
      %dma_wait3A_27 = arith.constant 0 : i32
      %dma_wait3A_28 = tpu.memref_slice %arg4[%add3A_12, %dma_wait3A_27] : memref<4096x1024xf32, #tpu.memory_space<hbm>> -> memref<64x1024xf32, #tpu.memory_space<hbm>>
      tpu.wait_dma2 semaphore(%run_scoped3A : memref<!tpu.dma_semaphore, #tpu.memory_space<semaphore_mem>>) src(%arg6 : memref<64x1024xf32, #tpu.memory_space<vmem>>) dst(%dma_wait3A_28 : memref<64x1024xf32, #tpu.memory_space<hbm>>)
      tpu.yield
    }) : () -> ()
    return
  }
}

#map = affine_map<(d0, d1) -> (0)>
#map1 = affine_map<(d0, d1) -> (0, 0)>
module attributes {stable_mosaic.version = 14 : i64} {
  func.func @_gather(%arg0: i32, %arg1: i32, %arg2: memref<8192xi32, #tpu.memory_space<hbm>>, %arg3: memref<32000x1024xf32, #tpu.memory_space<hbm>>, %arg4: memref<4096x1024xf32, #tpu.memory_space<hbm>>, %arg5: memref<64xi32, #tpu.memory_space<vmem>>, %arg6: memref<64x1024xf32, #tpu.memory_space<vmem>>, %arg7: memref<!tpu.dma_semaphore, #tpu.memory_space<semaphore_mem>>) attributes {dimension_semantics = [#tpu.dimension_semantics<core_parallel>, #tpu.dimension_semantics<subcore_parallel>], iteration_bounds = array<i64: 2, 16>, scalar_prefetch = 0 : i64, scratch_operands = 3 : i64, tpu.core_type = #tpu.core_type<sc_vector_subcore>, window_params = [{transform_indices = #map}, {transform_indices = #map1}, {transform_indices = #map1}]} {
    %mul3A = arith.constant 2 : i32
    %mul3A_0 = arith.muli %arg1, %mul3A : i32
    %add3A = arith.addi %mul3A_0, %arg0 : i32
    %mul3A_1 = arith.constant 128 : i32
    %mul3A_2 = arith.muli %add3A, %mul3A_1 : i32
    %add3A_3 = arith.constant 0 : i32
    %add3A_4 = arith.addi %mul3A_2, %add3A_3 : i32
    %add3A_5 = arith.constant 0 : i32
    %add3A_6 = arith.addi %add3A_5, %add3A_4 : i32
    "tpu.region"() ({
      %run_scoped3A = tpu.sem_alloc : memref<!tpu.dma_semaphore, #tpu.memory_space<semaphore_mem>>
      %dma_start3A_21 = tpu.memref_slice %arg2[%add3A_6] : memref<8192xi32, #tpu.memory_space<hbm>> -> memref<64xi32, #tpu.memory_space<hbm>>
      %dma_start3A_22 = tpu.memref_slice %arg2[%add3A_6] : memref<8192xi32, #tpu.memory_space<hbm>> -> memref<64xi32, #tpu.memory_space<hbm>>
      tpu.enqueue_dma source(%dma_start3A_22 : memref<64xi32, #tpu.memory_space<hbm>>) target(%arg5 : memref<64xi32, #tpu.memory_space<vmem>>) target_semaphore(%run_scoped3A : memref<!tpu.dma_semaphore, #tpu.memory_space<semaphore_mem>>)
      %dma_wait3A_23 = tpu.memref_slice %arg2[%add3A_6] : memref<8192xi32, #tpu.memory_space<hbm>> -> memref<64xi32, #tpu.memory_space<hbm>>
      %dma_wait3A_24 = tpu.memref_slice %arg2[%add3A_6] : memref<8192xi32, #tpu.memory_space<hbm>> -> memref<64xi32, #tpu.memory_space<hbm>>
      tpu.wait_dma2 semaphore(%run_scoped3A : memref<!tpu.dma_semaphore, #tpu.memory_space<semaphore_mem>>) src(%dma_wait3A_24 : memref<64xi32, #tpu.memory_space<hbm>>) dst(%arg5 : memref<64xi32, #tpu.memory_space<vmem>>)
      tpu.yield
    }) : () -> ()
    %dma_start3A = arith.constant 0 : i32
    %dma_start3A_7 = arith.constant 0 : i32
    %dma_start3A_8 = tpu.memref_slice %arg3[%dma_start3A, %dma_start3A_7] : memref<32000x1024xf32, #tpu.memory_space<hbm>> -> memref<32000x1024xf32, #tpu.memory_space<hbm>>
    tpu.enqueue_indirect_dma source(%dma_start3A_8 : memref<32000x1024xf32, #tpu.memory_space<hbm>>) target(%arg6 : memref<64x1024xf32, #tpu.memory_space<vmem>>) offsets(%arg5 : memref<64xi32, #tpu.memory_space<vmem>>) semaphore(%arg7 : memref<!tpu.dma_semaphore, #tpu.memory_space<semaphore_mem>>)
    %dma_wait3A = arith.constant 0 : i32
    %dma_wait3A_9 = arith.constant 0 : i32
    %dma_wait3A_10 = tpu.memref_slice %arg3[%dma_wait3A, %dma_wait3A_9] : memref<32000x1024xf32, #tpu.memory_space<hbm>> -> memref<32000x1024xf32, #tpu.memory_space<hbm>>
    tpu.wait_indirect_dma semaphore(%arg7 : memref<!tpu.dma_semaphore, #tpu.memory_space<semaphore_mem>>) src(%dma_wait3A_10 : memref<32000x1024xf32, #tpu.memory_space<hbm>>) dst(%arg6 : memref<64x1024xf32, #tpu.memory_space<vmem>>)
    "tpu.region"() ({
      %run_scoped3A = tpu.sem_alloc : memref<!tpu.dma_semaphore, #tpu.memory_space<semaphore_mem>>
      %dma_start3A_21 = arith.constant 0 : i32
      %dma_start3A_22 = tpu.memref_slice %arg4[%add3A_4, %dma_start3A_21] : memref<4096x1024xf32, #tpu.memory_space<hbm>> -> memref<64x1024xf32, #tpu.memory_space<hbm>>
      %dma_start3A_23 = arith.constant 0 : i32
      %dma_start3A_24 = tpu.memref_slice %arg4[%add3A_4, %dma_start3A_23] : memref<4096x1024xf32, #tpu.memory_space<hbm>> -> memref<64x1024xf32, #tpu.memory_space<hbm>>
      tpu.enqueue_dma source(%arg6 : memref<64x1024xf32, #tpu.memory_space<vmem>>) target(%dma_start3A_24 : memref<64x1024xf32, #tpu.memory_space<hbm>>) target_semaphore(%run_scoped3A : memref<!tpu.dma_semaphore, #tpu.memory_space<semaphore_mem>>)
      %dma_wait3A_25 = arith.constant 0 : i32
      %dma_wait3A_26 = tpu.memref_slice %arg4[%add3A_4, %dma_wait3A_25] : memref<4096x1024xf32, #tpu.memory_space<hbm>> -> memref<64x1024xf32, #tpu.memory_space<hbm>>
      %dma_wait3A_27 = arith.constant 0 : i32
      %dma_wait3A_28 = tpu.memref_slice %arg4[%add3A_4, %dma_wait3A_27] : memref<4096x1024xf32, #tpu.memory_space<hbm>> -> memref<64x1024xf32, #tpu.memory_space<hbm>>
      tpu.wait_dma2 semaphore(%run_scoped3A : memref<!tpu.dma_semaphore, #tpu.memory_space<semaphore_mem>>) src(%arg6 : memref<64x1024xf32, #tpu.memory_space<vmem>>) dst(%dma_wait3A_28 : memref<64x1024xf32, #tpu.memory_space<hbm>>)
      tpu.yield
    }) : () -> ()
    %add3A_11 = arith.constant 64 : i32
    %add3A_12 = arith.addi %mul3A_2, %add3A_11 : i32
    %add3A_13 = arith.constant 0 : i32
    %add3A_14 = arith.addi %add3A_13, %add3A_12 : i32
    "tpu.region"() ({
      %run_scoped3A = tpu.sem_alloc : memref<!tpu.dma_semaphore, #tpu.memory_space<semaphore_mem>>
      %dma_start3A_21 = tpu.memref_slice %arg2[%add3A_14] : memref<8192xi32, #tpu.memory_space<hbm>> -> memref<64xi32, #tpu.memory_space<hbm>>
      %dma_start3A_22 = tpu.memref_slice %arg2[%add3A_14] : memref<8192xi32, #tpu.memory_space<hbm>> -> memref<64xi32, #tpu.memory_space<hbm>>
      tpu.enqueue_dma source(%dma_start3A_22 : memref<64xi32, #tpu.memory_space<hbm>>) target(%arg5 : memref<64xi32, #tpu.memory_space<vmem>>) target_semaphore(%run_scoped3A : memref<!tpu.dma_semaphore, #tpu.memory_space<semaphore_mem>>)
      %dma_wait3A_23 = tpu.memref_slice %arg2[%add3A_14] : memref<8192xi32, #tpu.memory_space<hbm>> -> memref<64xi32, #tpu.memory_space<hbm>>
      %dma_wait3A_24 = tpu.memref_slice %arg2[%add3A_14] : memref<8192xi32, #tpu.memory_space<hbm>> -> memref<64xi32, #tpu.memory_space<hbm>>
      tpu.wait_dma2 semaphore(%run_scoped3A : memref<!tpu.dma_semaphore, #tpu.memory_space<semaphore_mem>>) src(%dma_wait3A_24 : memref<64xi32, #tpu.memory_space<hbm>>) dst(%arg5 : memref<64xi32, #tpu.memory_space<vmem>>)
      tpu.yield
    }) : () -> ()
    %dma_start3A_15 = arith.constant 0 : i32
    %dma_start3A_16 = arith.constant 0 : i32
    %dma_start3A_17 = tpu.memref_slice %arg3[%dma_start3A_15, %dma_start3A_16] : memref<32000x1024xf32, #tpu.memory_space<hbm>> -> memref<32000x1024xf32, #tpu.memory_space<hbm>>
    tpu.enqueue_indirect_dma source(%dma_start3A_17 : memref<32000x1024xf32, #tpu.memory_space<hbm>>) target(%arg6 : memref<64x1024xf32, #tpu.memory_space<vmem>>) offsets(%arg5 : memref<64xi32, #tpu.memory_space<vmem>>) semaphore(%arg7 : memref<!tpu.dma_semaphore, #tpu.memory_space<semaphore_mem>>)
    %dma_wait3A_18 = arith.constant 0 : i32
    %dma_wait3A_19 = arith.constant 0 : i32
    %dma_wait3A_20 = tpu.memref_slice %arg3[%dma_wait3A_18, %dma_wait3A_19] : memref<32000x1024xf32, #tpu.memory_space<hbm>> -> memref<32000x1024xf32, #tpu.memory_space<hbm>>
    tpu.wait_indirect_dma semaphore(%arg7 : memref<!tpu.dma_semaphore, #tpu.memory_space<semaphore_mem>>) src(%dma_wait3A_20 : memref<32000x1024xf32, #tpu.memory_space<hbm>>) dst(%arg6 : memref<64x1024xf32, #tpu.memory_space<vmem>>)
    "tpu.region"() ({
      %run_scoped3A = tpu.sem_alloc : memref<!tpu.dma_semaphore, #tpu.memory_space<semaphore_mem>>
      %dma_start3A_21 = arith.constant 0 : i32
      %dma_start3A_22 = tpu.memref_slice %arg4[%add3A_12, %dma_start3A_21] : memref<4096x1024xf32, #tpu.memory_space<hbm>> -> memref<64x1024xf32, #tpu.memory_space<hbm>>
      %dma_start3A_23 = arith.constant 0 : i32
      %dma_start3A_24 = tpu.memref_slice %arg4[%add3A_12, %dma_start3A_23] : memref<4096x1024xf32, #tpu.memory_space<hbm>> -> memref<64x1024xf32, #tpu.memory_space<hbm>>
      tpu.enqueue_dma source(%arg6 : memref<64x1024xf32, #tpu.memory_space<vmem>>) target(%dma_start3A_24 : memref<64x1024xf32, #tpu.memory_space<hbm>>) target_semaphore(%run_scoped3A : memref<!tpu.dma_semaphore, #tpu.memory_space<semaphore_mem>>)
      %dma_wait3A_25 = arith.constant 0 : i32
      %dma_wait3A_26 = tpu.memref_slice %arg4[%add3A_12, %dma_wait3A_25] : memref<4096x1024xf32, #tpu.memory_space<hbm>> -> memref<64x1024xf32, #tpu.memory_space<hbm>>
      %dma_wait3A_27 = arith.constant 0 : i32
      %dma_wait3A_28 = tpu.memref_slice %arg4[%add3A_12, %dma_wait3A_27] : memref<4096x1024xf32, #tpu.memory_space<hbm>> -> memref<64x1024xf32, #tpu.memory_space<hbm>>
      tpu.wait_dma2 semaphore(%run_scoped3A : memref<!tpu.dma_semaphore, #tpu.memory_space<semaphore_mem>>) src(%arg6 : memref<64x1024xf32, #tpu.memory_space<vmem>>) dst(%dma_wait3A_28 : memref<64x1024xf32, #tpu.memory_space<hbm>>)
      tpu.yield
    }) : () -> ()
    return
  }
}

module attributes {stable_mosaic.version = 14 : i64} {
  func.func @_mm_img_body(%arg0: i32, %arg1: memref<256x1024xf32, #tpu.memory_space<vmem>>, %arg2: memref<1024x1024xf32, #tpu.memory_space<vmem>>, %arg3: memref<1x1024xf32, #tpu.memory_space<vmem>>, %arg4: memref<256x1024xf32, #tpu.memory_space<vmem>>, %arg5: memref<1024x1024xbf16, #tpu.memory_space<vmem>>) attributes {dimension_semantics = [#tpu.dimension_semantics<arbitrary>], iteration_bounds = array<i64: 4>, scalar_prefetch = 0 : i64, scratch_operands = 0 : i64, tpu.core_type = #tpu.core_type<tc>, window_params = [{transform_indices = @transform_0, window_bounds = array<i64: 256, 1024>}, {pipeline_mode = #tpu.pipeline_mode<synchronous>, transform_indices = @transform_1, window_bounds = array<i64: 1024, 1024>}, {pipeline_mode = #tpu.pipeline_mode<synchronous>, transform_indices = @transform_2, window_bounds = array<i64: 1, 1024>}, {transform_indices = @transform_3, window_bounds = array<i64: 256, 1024>}, {pipeline_mode = #tpu.pipeline_mode<synchronous>, transform_indices = @transform_4, window_bounds = array<i64: 1024, 1024>}]} {
    %get3A = arith.constant 0 : index
    %get3A_0 = arith.constant 0 : index
    %get3A_1 = vector.load %arg2[%get3A, %get3A_0] : memref<1024x1024xf32, #tpu.memory_space<vmem>>, vector<1024x1024xf32>
    %convert_element_type3A = arith.truncf %get3A_1 : vector<1024x1024xf32> to vector<1024x1024xbf16>
    %swap3A = arith.constant 0 : index
    %swap3A_2 = arith.constant 0 : index
    %swap3A_3 = vector.load %arg5[%swap3A, %swap3A_2] : memref<1024x1024xbf16, #tpu.memory_space<vmem>>, vector<1024x1024xbf16>
    tpu.vector_store %arg5[%swap3A, %swap3A_2], %convert_element_type3A {strides = array<i32>} : memref<1024x1024xbf16, #tpu.memory_space<vmem>>, vector<1024x1024xbf16>,
    %get3A_4 = arith.constant 0 : index
    %get3A_5 = arith.constant 0 : index
    %get3A_6 = vector.load %arg1[%get3A_4, %get3A_5] : memref<256x1024xf32, #tpu.memory_space<vmem>>, vector<256x1024xf32>
    %convert_element_type3A_7 = arith.truncf %get3A_6 : vector<256x1024xf32> to vector<256x1024xbf16>
    %dot_general3A = arith.constant dense<0.000000e+00> : vector<256x1024xf32>
    %dot_general3A_8 = tpu.matmul %convert_element_type3A_7, %convert_element_type3A, %dot_general3A {dimension_numbers = #tpu.dot_dimension_numbers<[1], [0], [0], [1], [0, 0, 1, 1], [], []>, transpose_lhs_hint = false} : vector<256x1024xbf16>, vector<1024x1024xbf16>, vector<256x1024xf32> -> vector<256x1024xf32>
    %get3A_9 = arith.constant 0 : index
    %get3A_10 = arith.constant 0 : index
    %get3A_11 = vector.load %arg3[%get3A_9, %get3A_10] : memref<1x1024xf32, #tpu.memory_space<vmem>>, vector<1x1024xf32>
    %add3A = vector.broadcast %get3A_11 : vector<1x1024xf32> to vector<256x1024xf32>
    %add3A_12 = arith.addf %dot_general3A_8, %add3A : vector<256x1024xf32>
    %swap3A_13 = arith.constant 0 : index
    %swap3A_14 = arith.constant 0 : index
    %swap3A_15 = vector.load %arg4[%swap3A_13, %swap3A_14] : memref<256x1024xf32, #tpu.memory_space<vmem>>, vector<256x1024xf32>
    tpu.vector_store %arg4[%swap3A_13, %swap3A_14], %add3A_12 {strides = array<i32>} : memref<256x1024xf32, #tpu.memory_space<vmem>>, vector<256x1024xf32>,
    return
  }
  func.func @transform_0(%arg0: i32) -> (i32, i32) {
    %c0_i32 = arith.constant 0 : i32
    %c0_i32_0 = arith.constant 0 : i32
    return %arg0, %c0_i32 : i32, i32
  }
  func.func @transform_1(%arg0: i32) -> (i32, i32) {
    %c0_i32 = arith.constant 0 : i32
    %c0_i32_0 = arith.constant 0 : i32
    %c0_i32_1 = arith.constant 0 : i32
    return %c0_i32, %c0_i32_0 : i32, i32
  }
  func.func @transform_2(%arg0: i32) -> (i32, i32) {
    %c0_i32 = arith.constant 0 : i32
    %c0_i32_0 = arith.constant 0 : i32
    %c0_i32_1 = arith.constant 0 : i32
    return %c0_i32, %c0_i32_0 : i32, i32
  }
  func.func @transform_3(%arg0: i32) -> (i32, i32) {
    %mul3A = arith.constant 9 : i32
    %mul3A_0 = arith.muli %arg0, %mul3A : i32
    %c0_i32 = arith.constant 0 : i32
    %c0_i32_1 = arith.constant 0 : i32
    return %mul3A_0, %c0_i32 : i32, i32
  }
  func.func @transform_4(%arg0: i32) -> (i32, i32) {
    %c0_i32 = arith.constant 0 : i32
    %c0_i32_0 = arith.constant 0 : i32
    %c0_i32_1 = arith.constant 0 : i32
    return %c0_i32, %c0_i32_0 : i32, i32
  }
}

module attributes {stable_mosaic.version = 14 : i64} {
  func.func @_mm_emb_body(%arg0: i32, %arg1: memref<9216x1024xf32, #tpu.memory_space<any>>, %arg2: memref<256x1024xf32, #tpu.memory_space<vmem>>, %arg3: memref<1024x1024xbf16, #tpu.memory_space<vmem>>, %arg4: memref<1x1024xf32, #tpu.memory_space<vmem>>, %arg5: memref<256x1024xf32, #tpu.memory_space<vmem>>) attributes {dimension_semantics = [#tpu.dimension_semantics<arbitrary>], iteration_bounds = array<i64: 16>, scalar_prefetch = 0 : i64, scratch_operands = 0 : i64, tpu.core_type = #tpu.core_type<tc>, window_params = [{}, {transform_indices = @transform_1, window_bounds = array<i64: 256, 1024>}, {pipeline_mode = #tpu.pipeline_mode<synchronous>, transform_indices = @transform_2, window_bounds = array<i64: 1024, 1024>}, {pipeline_mode = #tpu.pipeline_mode<synchronous>, transform_indices = @transform_3, window_bounds = array<i64: 1, 1024>}, {transform_indices = @transform_4, window_bounds = array<i64: 256, 1024>}]} {
    %get3A = arith.constant 0 : index
    %get3A_0 = arith.constant 0 : index
    %get3A_1 = vector.load %arg2[%get3A, %get3A_0] : memref<256x1024xf32, #tpu.memory_space<vmem>>, vector<256x1024xf32>
    %convert_element_type3A = arith.truncf %get3A_1 : vector<256x1024xf32> to vector<256x1024xbf16>
    %get3A_2 = arith.constant 0 : index
    %get3A_3 = arith.constant 0 : index
    %get3A_4 = vector.load %arg3[%get3A_2, %get3A_3] : memref<1024x1024xbf16, #tpu.memory_space<vmem>>, vector<1024x1024xbf16>
    %dot_general3A = arith.constant dense<0.000000e+00> : vector<256x1024xf32>
    %dot_general3A_5 = tpu.matmul %convert_element_type3A, %get3A_4, %dot_general3A {dimension_numbers = #tpu.dot_dimension_numbers<[1], [0], [0], [1], [0, 0, 1, 1], [], []>, transpose_lhs_hint = false} : vector<256x1024xbf16>, vector<1024x1024xbf16>, vector<256x1024xf32> -> vector<256x1024xf32>
    %get3A_6 = arith.constant 0 : index
    %get3A_7 = arith.constant 0 : index
    %get3A_8 = vector.load %arg4[%get3A_6, %get3A_7] : memref<1x1024xf32, #tpu.memory_space<vmem>>, vector<1x1024xf32>
    %add3A = vector.broadcast %get3A_8 : vector<1x1024xf32> to vector<256x1024xf32>
    %add3A_9 = arith.addf %dot_general3A_5, %add3A : vector<256x1024xf32>
    %swap3A = arith.constant 0 : index
    %swap3A_10 = arith.constant 0 : index
    %swap3A_11 = vector.load %arg5[%swap3A, %swap3A_10] : memref<256x1024xf32, #tpu.memory_space<vmem>>, vector<256x1024xf32>
    tpu.vector_store %arg5[%swap3A, %swap3A_10], %add3A_9 {strides = array<i32>} : memref<256x1024xf32, #tpu.memory_space<vmem>>, vector<256x1024xf32>,
    return
  }
  func.func @transform_1(%arg0: i32) -> (i32, i32) {
    %c0_i32 = arith.constant 0 : i32
    %c0_i32_0 = arith.constant 0 : i32
    return %arg0, %c0_i32 : i32, i32
  }
  func.func @transform_2(%arg0: i32) -> (i32, i32) {
    %c0_i32 = arith.constant 0 : i32
    %c0_i32_0 = arith.constant 0 : i32
    %c0_i32_1 = arith.constant 0 : i32
    return %c0_i32, %c0_i32_0 : i32, i32
  }
  func.func @transform_3(%arg0: i32) -> (i32, i32) {
    %c0_i32 = arith.constant 0 : i32
    %c0_i32_0 = arith.constant 0 : i32
    %c0_i32_1 = arith.constant 0 : i32
    return %c0_i32, %c0_i32_0 : i32, i32
  }
  func.func @transform_4(%arg0: i32) -> (i32, i32) {
    %jit3A = arith.constant 8 : i32
    %div3A = arith.divsi %arg0, %jit3A : i32
    %sign3A = arith.constant 0 : i32
    %sign3A_0 = arith.cmpi sgt, %arg0, %sign3A : i32
    %sign3A_1 = arith.extui %sign3A_0 : i1 to i32
    %sign3A_2 = arith.constant 0 : i32
    %sign3A_3 = arith.cmpi slt, %arg0, %sign3A_2 : i32
    %sign3A_4 = arith.extui %sign3A_3 : i1 to i32
    %sign3A_5 = arith.subi %sign3A_1, %sign3A_4 : i32
    %sign3A_6 = arith.constant 0 : i32
    %sign3A_7 = arith.cmpi sgt, %jit3A, %sign3A_6 : i32
    %sign3A_8 = arith.extui %sign3A_7 : i1 to i32
    %sign3A_9 = arith.constant 0 : i32
    %sign3A_10 = arith.cmpi slt, %jit3A, %sign3A_9 : i32
    %sign3A_11 = arith.extui %sign3A_10 : i1 to i32
    %sign3A_12 = arith.subi %sign3A_8, %sign3A_11 : i32
    %ne3A = arith.cmpi ne, %sign3A_5, %sign3A_12 : i32
    %rem3A = arith.remsi %arg0, %jit3A : i32
    %ne3A_13 = arith.constant 0 : i32
    %ne3A_14 = arith.cmpi ne, %rem3A, %ne3A_13 : i32
    %and3A = arith.andi %ne3A, %ne3A_14 : i1
    %sub3A = arith.constant 1 : i32
    %sub3A_15 = arith.subi %div3A, %sub3A : i32
    %select_n3A = arith.select %and3A, %sub3A_15, %div3A : i32
    %add3A = arith.constant 0 : i32
    %add3A_16 = arith.addi %add3A, %select_n3A : i32
    %mul3A = arith.constant 9 : i32
    %mul3A_17 = arith.muli %add3A_16, %mul3A : i32
    %add3A_18 = arith.constant 1 : i32
    %add3A_19 = arith.addi %mul3A_17, %add3A_18 : i32
    %jit3A_20 = arith.constant 8 : i32
    %eq3A = arith.constant 0 : i32
    %eq3A_21 = arith.cmpi eq, %jit3A_20, %eq3A : i32
    %jit3A_22 = arith.constant 1 : i32
    %select_n3A_23 = arith.select %eq3A_21, %jit3A_22, %jit3A_20 : i32
    %rem3A_24 = arith.remsi %arg0, %select_n3A_23 : i32
    %ne3A_25 = arith.constant 0 : i32
    %ne3A_26 = arith.cmpi ne, %rem3A_24, %ne3A_25 : i32
    %lt3A = arith.constant 0 : i32
    %lt3A_27 = arith.cmpi slt, %rem3A_24, %lt3A : i32
    %lt3A_28 = arith.constant 0 : i32
    %lt3A_29 = arith.cmpi slt, %select_n3A_23, %lt3A_28 : i32
    %ne3A_30 = arith.xori %lt3A_27, %lt3A_29 : i1
    %and3A_31 = arith.andi %ne3A_30, %ne3A_26 : i1
    %add3A_32 = arith.addi %rem3A_24, %select_n3A_23 : i32
    %select_n3A_33 = arith.select %and3A_31, %add3A_32, %rem3A_24 : i32
    %add3A_34 = arith.addi %add3A_19, %select_n3A_33 : i32
    %c0_i32 = arith.constant 0 : i32
    %c0_i32_35 = arith.constant 0 : i32
    return %add3A_34, %c0_i32 : i32, i32
  }
}

module attributes {stable_mosaic.version = 14 : i64} {
  func.func @_mm_emb_body(%arg0: i32, %arg1: memref<9216x1024xf32, #tpu.memory_space<any>>, %arg2: memref<256x1024xf32, #tpu.memory_space<vmem>>, %arg3: memref<1024x1024xbf16, #tpu.memory_space<vmem>>, %arg4: memref<1x1024xf32, #tpu.memory_space<vmem>>, %arg5: memref<256x1024xf32, #tpu.memory_space<vmem>>) attributes {dimension_semantics = [#tpu.dimension_semantics<arbitrary>], iteration_bounds = array<i64: 16>, scalar_prefetch = 0 : i64, scratch_operands = 0 : i64, tpu.core_type = #tpu.core_type<tc>, window_params = [{}, {transform_indices = @transform_1, window_bounds = array<i64: 256, 1024>}, {pipeline_mode = #tpu.pipeline_mode<synchronous>, transform_indices = @transform_2, window_bounds = array<i64: 1024, 1024>}, {pipeline_mode = #tpu.pipeline_mode<synchronous>, transform_indices = @transform_3, window_bounds = array<i64: 1, 1024>}, {transform_indices = @transform_4, window_bounds = array<i64: 256, 1024>}]} {
    %get3A = arith.constant 0 : index
    %get3A_0 = arith.constant 0 : index
    %get3A_1 = vector.load %arg2[%get3A, %get3A_0] : memref<256x1024xf32, #tpu.memory_space<vmem>>, vector<256x1024xf32>
    %convert_element_type3A = arith.truncf %get3A_1 : vector<256x1024xf32> to vector<256x1024xbf16>
    %get3A_2 = arith.constant 0 : index
    %get3A_3 = arith.constant 0 : index
    %get3A_4 = vector.load %arg3[%get3A_2, %get3A_3] : memref<1024x1024xbf16, #tpu.memory_space<vmem>>, vector<1024x1024xbf16>
    %dot_general3A = arith.constant dense<0.000000e+00> : vector<256x1024xf32>
    %dot_general3A_5 = tpu.matmul %convert_element_type3A, %get3A_4, %dot_general3A {dimension_numbers = #tpu.dot_dimension_numbers<[1], [0], [0], [1], [0, 0, 1, 1], [], []>, transpose_lhs_hint = false} : vector<256x1024xbf16>, vector<1024x1024xbf16>, vector<256x1024xf32> -> vector<256x1024xf32>
    %get3A_6 = arith.constant 0 : index
    %get3A_7 = arith.constant 0 : index
    %get3A_8 = vector.load %arg4[%get3A_6, %get3A_7] : memref<1x1024xf32, #tpu.memory_space<vmem>>, vector<1x1024xf32>
    %add3A = vector.broadcast %get3A_8 : vector<1x1024xf32> to vector<256x1024xf32>
    %add3A_9 = arith.addf %dot_general3A_5, %add3A : vector<256x1024xf32>
    %swap3A = arith.constant 0 : index
    %swap3A_10 = arith.constant 0 : index
    %swap3A_11 = vector.load %arg5[%swap3A, %swap3A_10] : memref<256x1024xf32, #tpu.memory_space<vmem>>, vector<256x1024xf32>
    tpu.vector_store %arg5[%swap3A, %swap3A_10], %add3A_9 {strides = array<i32>} : memref<256x1024xf32, #tpu.memory_space<vmem>>, vector<256x1024xf32>,
    return
  }
  func.func @transform_1(%arg0: i32) -> (i32, i32) {
    %c0_i32 = arith.constant 0 : i32
    %c0_i32_0 = arith.constant 0 : i32
    return %arg0, %c0_i32 : i32, i32
  }
  func.func @transform_2(%arg0: i32) -> (i32, i32) {
    %c0_i32 = arith.constant 0 : i32
    %c0_i32_0 = arith.constant 0 : i32
    %c0_i32_1 = arith.constant 0 : i32
    return %c0_i32, %c0_i32_0 : i32, i32
  }
  func.func @transform_3(%arg0: i32) -> (i32, i32) {
    %c0_i32 = arith.constant 0 : i32
    %c0_i32_0 = arith.constant 0 : i32
    %c0_i32_1 = arith.constant 0 : i32
    return %c0_i32, %c0_i32_0 : i32, i32
  }
  func.func @transform_4(%arg0: i32) -> (i32, i32) {
    %jit3A = arith.constant 8 : i32
    %div3A = arith.divsi %arg0, %jit3A : i32
    %sign3A = arith.constant 0 : i32
    %sign3A_0 = arith.cmpi sgt, %arg0, %sign3A : i32
    %sign3A_1 = arith.extui %sign3A_0 : i1 to i32
    %sign3A_2 = arith.constant 0 : i32
    %sign3A_3 = arith.cmpi slt, %arg0, %sign3A_2 : i32
    %sign3A_4 = arith.extui %sign3A_3 : i1 to i32
    %sign3A_5 = arith.subi %sign3A_1, %sign3A_4 : i32
    %sign3A_6 = arith.constant 0 : i32
    %sign3A_7 = arith.cmpi sgt, %jit3A, %sign3A_6 : i32
    %sign3A_8 = arith.extui %sign3A_7 : i1 to i32
    %sign3A_9 = arith.constant 0 : i32
    %sign3A_10 = arith.cmpi slt, %jit3A, %sign3A_9 : i32
    %sign3A_11 = arith.extui %sign3A_10 : i1 to i32
    %sign3A_12 = arith.subi %sign3A_8, %sign3A_11 : i32
    %ne3A = arith.cmpi ne, %sign3A_5, %sign3A_12 : i32
    %rem3A = arith.remsi %arg0, %jit3A : i32
    %ne3A_13 = arith.constant 0 : i32
    %ne3A_14 = arith.cmpi ne, %rem3A, %ne3A_13 : i32
    %and3A = arith.andi %ne3A, %ne3A_14 : i1
    %sub3A = arith.constant 1 : i32
    %sub3A_15 = arith.subi %div3A, %sub3A : i32
    %select_n3A = arith.select %and3A, %sub3A_15, %div3A : i32
    %add3A = arith.constant 2 : i32
    %add3A_16 = arith.addi %add3A, %select_n3A : i32
    %mul3A = arith.constant 9 : i32
    %mul3A_17 = arith.muli %add3A_16, %mul3A : i32
    %add3A_18 = arith.constant 1 : i32
    %add3A_19 = arith.addi %mul3A_17, %add3A_18 : i32
    %jit3A_20 = arith.constant 8 : i32
    %eq3A = arith.constant 0 : i32
    %eq3A_21 = arith.cmpi eq, %jit3A_20, %eq3A : i32
    %jit3A_22 = arith.constant 1 : i32
    %select_n3A_23 = arith.select %eq3A_21, %jit3A_22, %jit3A_20 : i32
    %rem3A_24 = arith.remsi %arg0, %select_n3A_23 : i32
    %ne3A_25 = arith.constant 0 : i32
    %ne3A_26 = arith.cmpi ne, %rem3A_24, %ne3A_25 : i32
    %lt3A = arith.constant 0 : i32
    %lt3A_27 = arith.cmpi slt, %rem3A_24, %lt3A : i32
    %lt3A_28 = arith.constant 0 : i32
    %lt3A_29 = arith.cmpi slt, %select_n3A_23, %lt3A_28 : i32
    %ne3A_30 = arith.xori %lt3A_27, %lt3A_29 : i1
    %and3A_31 = arith.andi %ne3A_30, %ne3A_26 : i1
    %add3A_32 = arith.addi %rem3A_24, %select_n3A_23 : i32
    %select_n3A_33 = arith.select %and3A_31, %add3A_32, %rem3A_24 : i32
    %add3A_34 = arith.addi %add3A_19, %select_n3A_33 : i32
    %c0_i32 = arith.constant 0 : i32
    %c0_i32_35 = arith.constant 0 : i32
    return %add3A_34, %c0_i32 : i32, i32
  }
}

</mosaic_0001>

<sc_bundles>
// kernel: kernel.10.cloned.1.call-start
scs
__scs_entry_jumppad:
0x0: {  	(pc) =	sbr.rel $0x88, $3  }
0x1: {  	(tag) =	ssettag $0x0;
	lr =	simm.s32 $0x1  }
0x2: {  	[smem:$0x3F9C] =	sst lr;
	_ =	strace $0xD0000000  }
0x3: {  	_ = 	snop  }
0x4: {  	_ = 	snop  }
0x5: {  	_ = 	snop  }
0x6: {  	_ = 	snop  }
0x7: {  	_ = 	snop  }
__scs_overlays_trampoline_lowered:
0x8: {  	[smem:$0x3FAB] =	sst s0  }
0x9: {  	[smem:$0x3FAC] =	sst s1  }
0xa: {  	[smem:$0x3FAD] =	sst s2  }
0xb: {  	[smem:$0x3FAE] =	sst s3  }
0xc: {  	[smem:$0x3FAF] =	sst s4  }
0xd: {  	[smem:$0x3FB0] =	sst s5  }
0xe: {  	[smem:$0x3FB1] =	sst s6  }
0xf: {  	[smem:$0x3FB2] =	sst s7  }
0x10: {  	[smem:$0x3FB3] =	sst s8  }
0x11: {  	[smem:$0x3FB4] =	sst s9;
	s0 =	simm.s32 @!p0 $0x0  }
0x12: {  	s1 =	sld [smem:$0x3F9A];
	s0 =	simm.s32 @p0 $0x1  }
0x13: {  	[smem:$0x3FB5] =	sst s0;
	s0 =	simm.s32 @!p1 $0x0  }
0x14: {  	s2 =	sld [smem:$0x3F99];
	s0 =	simm.s32 @p1 $0x1  }
0x15: {  	[smem:$0x3FB6] =	sst s0;
	s0 =	simm.s32 @!p2 $0x0  }
0x16: {  	s3 =	sld [smem:$0x3FDB];
	s0 =	simm.s32 @p2 $0x1  }
0x17: {  	s4 =	simm.s32 $0x1BF5;
	[smem:$0x3FB8] =	sst s0  }
0x18: {  	s0 =	sld [smem:$0x3F9B];
	_ =	swait.ge [sflag:s4], $0x0  }
0x19: {  	s7 =	sld [smem:$0x3F9C]  }
0x1a: {  	s8 =	sadd.s32 $0xFFFFE003, lr  }
0x1b: {  	s9 =	sadd.s32 $0xFFFFFEF7, lr;
	s5 =	simm.s32 $0xFFFFFFFF;
	p2 =	slt.u32 s8, $0xFFFFF086  }
0x1c: {  	p1 =	slt.u32 s9, $0xF7A;
	s5 =	simm.s32 @!p2 $0x0  }
0x1d: {  	s5 =	simm.s32 @p1 $0x1;
	p0 =	seq.s32 s7, s2  }
0x1e: {  	s7 =	smul.u32 @!p0 $0xF7A, s2;
	p2 =	seq.s32 @!p0 s5, $0x0  }
0x1f: {  	s9 =	smul.u32 $0xF7A, s1;
	s8 =	simm.s32 @!p0 $0x1BF5;
	p2 =	por !p2, p0  }
0x20: {  	[sflag:s8] =	ssyncset.s32 @!p0 $0xFFFFF086;
	s6 =	sadd.s32 @!p0 s3, s7;
	s7 =	simm.s32 @!p0 $0x108  }
0x21: {  	s3 =	sadd.s32 s3, s9;
	s6 =	sadd.s32 @!p0 $0x88, s6;
	s7 =	simm.s32 @p2 $0x1082  }
0x22: {  	[simem:s7], [sflag:s8] =	dma.local @!p0 [hbm:s6], $0xF7A  }
0x23: {  	s9 =	sor.u32 $0xD0000000, s2;
	s6 =	simm.s32 $0x108;
	_ =	swait.ge @!p0 [sflag:s8], $0x0  }
0x24: {  	s3 =	sadd.s32 $0x88, s3;
	s6 =	simm.s32 @!p1 $0x1082;
	[sflag:s4] =	ssyncset.s32 $0xFFFFF086  }
0x25: {  	[simem:s6], [sflag:s4] =	dma.local [hbm:s3], $0xF7A  }
0x26: {  	[smem:$0x3F9C] =	sst s1;
	(tag) =	ssettag s2;
	_ =	strace s9  }
0x27: {  	s1 =	sld [smem:$0x3FAC]  }
0x28: {  	s2 =	sld [smem:$0x3FAD]  }
0x29: {  	s4 =	sld [smem:$0x3FAF]  }
0x2a: {  	p0 =	seq.s32 s5, $0x0;
	s5 =	sld [smem:$0x3FB0]  }
0x2b: {  	s6 =	sld [smem:$0x3FB1]  }
0x2c: {  	s7 =	sld [smem:$0x3FB2]  }
0x2d: {  	s3 =	simm.s32 $0x108;
	s8 =	sld [smem:$0x3FB3]  }
0x2e: {  	s3 =	simm.s32 @!p0 $0x1082;
	s9 =	sld [smem:$0x3FB4]  }
0x2f: {  	lr =	sadd.s32 s0, s3;
	s0 =	sld [smem:$0x3FAB]  }
0x30: {  	s3 =	sld [smem:$0x3FAE]  }
0x31: {  	[smem:$0x3FB7] =	sst s10  }
0x32: {  	s10 =	sld [smem:$0x3FB5];
	_ =	sdelay $0x3  }
0x33: {  	p0 =	seq.s32 s10, $0x1;
	s10 =	sld [smem:$0x3FB7];
	_ =	sdelay $0x3  }
0x34: {  	[smem:$0x3FB7] =	sst s10  }
0x35: {  	s10 =	sld [smem:$0x3FB6];
	_ =	sdelay $0x3  }
0x36: {  	p1 =	seq.s32 s10, $0x1;
	s10 =	sld [smem:$0x3FB7];
	_ =	sdelay $0x3  }
0x37: {  	[smem:$0x3FB7] =	sst s10  }
0x38: {  	s10 =	sld [smem:$0x3FB8]  }
0x39: {  	_ = 	snop;
	(pc) =	sbr.ind lr, $3  }
0x3a: {  	_ = 	snop  }
0x3b: {  	_ = 	snop  }
0x3c: {  	p2 =	seq.s32 s10, $0x1;
	s10 =	sld [smem:$0x3FB7]  }
0x3d: {  	_ =	shalt  }
0x3e: {  	_ =	shalt  }
0x3f: {  	_ =	shalt  }
0x40: {  	_ =	shalt  }
0x41: {  	_ =	shalt  }
0x42: {  	_ =	shalt  }
0x43: {  	_ =	shalt  }
0x44: {  	_ =	shalt  }
0x45: {  	_ =	shalt  }
0x46: {  	_ =	shalt  }
0x47: {  	_ =	shalt  }
0x48: {  	_ =	shalt  }
0x49: {  	_ =	shalt  }
0x4a: {  	_ =	shalt  }
0x4b: {  	_ =	shalt  }
0x4c: {  	_ =	shalt  }
0x4d: {  	_ =	shalt  }
0x4e: {  	_ =	shalt  }
0x4f: {  	_ =	shalt  }
0x50: {  	_ =	shalt  }
0x51: {  	_ =	shalt  }
0x52: {  	_ =	shalt  }
0x53: {  	_ =	shalt  }
0x54: {  	_ =	shalt  }
0x55: {  	_ =	shalt  }
0x56: {  	_ =	shalt  }
0x57: {  	_ =	shalt  }
0x58: {  	_ =	shalt  }
0x59: {  	_ =	shalt  }
0x5a: {  	_ =	shalt  }
0x5b: {  	_ =	shalt  }
0x5c: {  	_ =	shalt  }
0x5d: {  	_ =	shalt  }
0x5e: {  	_ =	shalt  }
0x5f: {  	_ =	shalt  }
0x60: {  	_ =	shalt  }
0x61: {  	_ =	shalt  }
0x62: {  	_ =	shalt  }
0x63: {  	_ =	shalt  }
0x64: {  	_ =	shalt  }
0x65: {  	_ =	shalt  }
0x66: {  	_ =	shalt  }
0x67: {  	_ =	shalt  }
0x68: {  	_ =	shalt  }
0x69: {  	_ =	shalt  }
0x6a: {  	_ =	shalt  }
0x6b: {  	_ =	shalt  }
0x6c: {  	_ =	shalt  }
0x6d: {  	_ =	shalt  }
0x6e: {  	_ =	shalt  }
0x6f: {  	_ =	shalt  }
0x70: {  	_ =	shalt  }
0x71: {  	_ =	shalt  }
0x72: {  	_ =	shalt  }
0x73: {  	_ =	shalt  }
0x74: {  	_ =	shalt  }
0x75: {  	_ =	shalt  }
0x76: {  	_ =	shalt  }
0x77: {  	_ =	shalt  }
0x78: {  	_ =	shalt  }
0x79: {  	_ =	shalt  }
0x7a: {  	_ =	shalt  }
0x7b: {  	_ =	shalt  }
0x7c: {  	_ =	shalt  }
0x7d: {  	_ =	shalt  }
0x7e: {  	_ =	shalt  }
0x7f: {  	_ =	shalt  }
0x80: {  	_ =	shalt  }
0x81: {  	_ =	shalt  }
0x82: {  	_ =	shalt  }
0x83: {  	_ =	shalt  }
0x84: {  	_ =	shalt  }
0x85: {  	_ =	shalt  }
0x86: {  	_ =	shalt  }
0x87: {  	_ =	shalt  }
.Lfunc_end0:
.L_simem_size_0:
called_computation.1_lowered:
.L_overlay_start_0:
0x88: {  	s2 =	sld [smem:$0x3FD9]  }
0x89: {  	s3 =	sld [smem:$0x3FFE];
	_ =	sdelay $0x1  }
0x8a: {  	s1 =	srdreg.scid  }
0x8b: {  	s0 =	sand.u32 $0x1, s1  }
0x8c: {  	s17 =	sshll.u32 s0, $0xA;
	s2 =	sadd.s32 s3, s2  }
0x8d: {  	s2 =	sadd.s32 s2, s17  }
0x8e: {  	[smem:$0x3FC3] =	sst s2  }
0x8f: {  	_ = 	snop  }
0x90: {  	s18 =	sld [smem:$0x3FC7];
	(tm) =	ssettm $0x1  }
0x91: {  	s19 =	sld [smem:$0x3FFB];
	_ =	sdelay $0x3  }
0x92: {  	_ =	strace s19  }
0x93: {  	s2 =	sld [smem:$0x3FFC];
	_ =	sdelay $0x3  }
0x94: {  	_ =	strace s2  }
0x95: {  	s2 =	sld [smem:$0x3FFD];
	_ =	sdelay $0x3  }
0x96: {  	_ =	strace s2  }
0x97: {  	_ =	strace $0x8FFFFFFF  }
0x98: {  	s20 =	sld [smem:$0x3FDB];
	_ =	sdelay $0x1  }
0x99: {  	s4 =	simm.s32 $_scs_section_size  }
0x9a: {  	s5 =	simm.s32 $_size__tile_overlayer_lowered;
	s6 =	simm.s32 $_tile_overlayer_lowered  }
0x9b: {  	s7 =	simm.s32 $0x1BFF;
	s21 =	sshll.u32 s6, $0x1;
	s4 =	sadd.s32 s4, s20  }
0x9c: {  	s22 =	simm.s32 $0x0;
	s5 =	sshll.u32 s5, $0x1;
	s6 =	sadd.s32 s21, s4  }
0x9d: {  	[timem:s22], [sflag:s7] =	dma.local [hbm:s6], s5  }
0x9e: {  	_ =	swait.ge [sflag:s7], s5  }
0x9f: {  	s5 =	ssub.s32 $0x0, s5;
	[sflag:s7] =	ssyncset.done $0x0  }
0xa0: {  	[sflag:s7] =	ssyncadd.s32 s5;
	_ =	sdelay $0x1  }
0xa1: {  	s23 =	simm.s32 $0x1B8B  }
0xa2: {  	_ =	swait.ge [sflag:s23], $0x1  }
0xa3: {  	[sflag:s23] =	ssyncset.done $0x0  }
0xa4: {  	[sflag:s23] =	ssyncadd.s32 $0xFFFFFFFF  }
0xa5: {  	s5 =	sld [smem:$0x0]  }
0xa6: {  	s6 =	sand.u32 $0xFFFFFFFE, s1  }
0xa7: {  	p0 =	sne.s32 s1, s6  }
0xa8: {  	s6 =	sshll.u32 @p0 s6, $0xE  }
0xa9: {  	s6 =	sadd.s32 @p0 $0x11B8D, s6;
	s7 =	sshll.u32 @p0 s5, $0x11  }
0xaa: {  	s6 =	sor.u32 @p0 s7, s6  }
0xab: {  	[sflag:s6] =	ssyncadd.remote.s32 @p0 $0x1;
	_ =	sdelay $0x1  }
0xac: {  	s6 =	simm.s32 @p0 $0x1B8D  }
0xad: {  	_ =	swait.eq @p0 [sflag:s6], $0x1  }
0xae: {  	[sflag:s6] =	ssyncadd.s32 @p0 $0xFFFFFFFF  }
0xaf: {  	s7 =	sshll.u32 @!p0 s1, $0xE  }
0xb0: {  	s7 =	sor.u32 @!p0 $0x4000, s7;
	s6 =	simm.s32 @!p0 $0x1B8D  }
0xb1: {  	s5 =	sshll.u32 @!p0 s5, $0x11;
	s7 =	sadd.s32 @!p0 $0x11B8D, s7;
	_ =	swait.eq @!p0 [sflag:s6], $0x1  }
0xb2: {  	s5 =	sor.u32 @!p0 s5, s7;
	[sflag:s6] =	ssyncadd.s32 @!p0 $0xFFFFFFFF  }
0xb3: {  	s25 =	simm.s32 $0x1B8E;
	s24 =	sld [smem:$0x3FFE];
	[sflag:s5] =	ssyncadd.remote.s32 @!p0 $0x1  }
0xb4: {  	s26 =	simm.s32 $execute0_lowered;
	[smem:$0x3FD2] =	sst s25  }
0xb5: {  	s6 =	sshll.u32 s26, $0x1;
	_ =	strace $0x80000049;
	[dreg:$0x1] =	wrdreg $0xFFFFFFFF  }
0xb6: {  	s28 =	simm.s32 $_size_execute0_lowered;
	s4 =	sadd.s32 s4, s6;
	[dreg:$0x0] =	wrdreg $0x0  }
0xb7: {  	s6 =	sshll.u32 s28, $0x1;
	[dreg:$0x2] =	wrdreg s4  }
0xb8: {  	[dreg:$0x3] =	wrdreg s6  }
0xb9: {  	[dreg:$0x4] =	wrdreg $0xC0  }
0xba: {  	_ =	task [dreg:s22], $0x5FFFF  }
0xbb: {  	[dreg:$0x1] =	wrdreg $0xFFFFFFFF  }
0xbc: {  	[dreg:$0x0] =	wrdreg $0x60  }
0xbd: {  	[dreg:$0x2] =	wrdreg s24  }
0xbe: {  	[dreg:$0x3] =	wrdreg s18  }
0xbf: {  	[dreg:$0x4] =	wrdreg $0xA  }
0xc0: {  	_ =	task.clear_ibuf [dreg:s22], $0x5FFFF;
	_ =	strace $0x90000049  }
0xc1: {  	s29 =	simm.s32 $0xA;
	_ =	strace $0x8000004B  }
0xc2: {  	_ =	swait.ge [sflag:s29], $0x1  }
0xc3: {  	[sflag:s29] =	ssyncadd.s32 $0xFFFFFFFF  }
0xc4: {  	_ =	strace $0x9000004B  }
0xc5: {  	_ =	sfence  }
0xc6: {  	s30 =	sld [smem:$0x0];
	_ =	sdelay $0x2  }
0xc7: {  	s31 =	sshll.u32 s1, $0xD;
	s1 =	sshrl.u32 s1, $0x2  }
0xc8: {  	s4 =	sand.u32 $0x4000, s31;
	s1 =	sadd.s32 s1, s30  }
0xc9: {  	s0 =	sor.u32 s4, s0;
	s1 =	sshll.u32 s1, $0x11  }
0xca: {  	s0 =	sor.u32 s1, s0  }
0xcb: {  	s0 =	sadd.s32 $0x8F2B, s0  }
0xcc: {  	[sflag:s0] =	ssyncadd.remote.s32 $0x1  }
0xcd: {  	_ =	sfence.sel $0xFFFF  }
0xce: {  	[dreg:$0x0] =	wrdreg $0xFFFFFFFF;
	(pc) =	sbr.abs _section_cstart, $3  }
0xcf: {  	[dreg:$0x1] =	wrdreg $0xFFFFFFFF  }
0xd0: {  	_ =	task.clear_ibuf [dreg:s22], $0x2FFFF;
	_ =	strace $0x9FFFFFFF  }
0xd1: {  	(tm) =	ssettm $0x7FFFFFFF  }
tec
execute0_lowered:
.L_overlay_start_1:
0x0: {  	(tag) =	ssettag $0x1  }
0x1: {  	s0 =	rddreg [dreg:$0x0]  }
0x2: {  	s2 =	rddreg [dreg:$0x1]  }
0x3: {  	s1 =	srdreg.scid;
	s4 =	stileid.u32;
	s3 =	simm.s32 $0x0  }
0x4: {  	s8 =	simm.s32 $0x2;
	s18 =	simm.s32 $0x1;
	s20 =	simm.s32 $0x880  }
0x5: {  	s21 =	simm.s32 $0x1080;
	s22 =	simm.s32 $0x1880;
	s23 =	simm.s32 $0x2080  }
0x6: {  	s28 =	simm.s32 $0x4080;
	s29 =	simm.s32 $0x4880;
	s30 =	simm.s32 $0x5080  }
0x7: {  	s31 =	simm.s32 $0x5880;
	s10 =	simm.s32 $0x7080;
	s11 =	simm.s32 $0x7880  }
0x8: {  	s12 =	simm.s32 $0x8080;
	s13 =	simm.s32 $0x8880;
	s14 =	simm.s32 $0x9080  }
0x9: {  	s15 =	simm.s32 $0x9880;
	s16 =	simm.s32 $0xA080;
	s1 =	sand.u32 $0x1, s1  }
0xa: {  	s17 =	simm.s32 $0xA880;
	s4 =	sshll.u32 s4, $0x8;
	s5 =	sshll.u32 s1, $0x7  }
0xb: {  	s9 =	simm.s32 $0xB080;
	[smem:$0x7FF] =	sst s3;
	s4 =	sor.u32 s5, s4  }
0xc: {  	_ =	strace $0x8000004A;
	s1 =	ssub.s32 $0x2, s1;
	s5 =	sshrl.u32 s4, $0x3  }
0xd: {  	s24 =	sshrl.u32 s1, $0x1;
	s4 =	sshll.u32 s4, $0x7;
	s6 =	sadd.s32 s5, s0  }
0xe: {  	s1 =	ssub.s32 s1, s24;
	s0 =	sadd.s32 s4, s0;
	s25 =	sadd.s32 $0x1600, s6  }
0xf: {  	s24 =	simm.s32 $0x2880;
	s7 =	sadd.s32 $0x81800, s0;
	[dreg:$0x3] =	wrdreg s25  }
0x10: {  	s4 =	sadd.s32 $0x100, s2;
	s26 =	sadd.s32 $0x1608, s6;
	[dreg:$0x4] =	wrdreg s7  }
0x11: {  	v2 =	vlaneseq.u32;
	s5 =	sadd.s32 $0x200, s2;
	s0 =	sadd.s32 $0x83800, s0;
	[dreg:$0x5] =	wrdreg s26  }
0x12: {  	vm0 =	vmmov $0xffff;
	v1 =	vshrl.u32 v2, $0x3;
	s6 =	sadd.s32 $0x300, s2;
	[dreg:$0x6] =	wrdreg s0;
	s7 =	smax.u32 s1, $0x1  }
0x13: {  	v0 =	vand.u32 $0x7, v2;
	v2 =	vor.u32 $0x8, v2;
	v1 =	vmul.u32 $0x8, v1;
	s0 =	simm.s32 $0x80;
	s25 =	simm.s32 $0x3080;
	s26 =	simm.s32 $0x3880  }
.LBB2_1:
0x14: {  	s19 =	rddreg [dreg:$0x3]  }
0x15: {  	[tilespmem:s3], [sflag:$0x2] =	stream.linear.gather [hbm4b:s19+s3], $0x40, $0x38;
	[tilespmem:$0x10080] =	vst v63  }
0x16: {  	_ =	swait.ge [sflag:s8], $0x40  }
0x17: {  	[sflag:s8] =	ssyncset.done $0x0  }
0x18: {  	[sflag:s8] =	ssyncadd.s32 $0xFFFFFFC0  }
0x19: {  	v3 =	vld [tilespmem:$0x0];
	_ =	sdelay $0x4  }
0x1a: {  	v4 =	vshll.u32 v3, $0x3  }
0x1b: {  	v3 =	vand.u32 $0x7, v3;
	v4 =	vand.u32 $0xFFFFFFC0, v4  }
0x1c: {  	v3 =	vor.u32 v3, v4  }
0x1d: {  	v4 =	vperm.xlane v3, v0;
	_ =	sdelay $0x1  }
0x1e: {  	v4 =	vadd.s32 v1, v4;
	_ =	sdelay $0x4  }
0x1f: {  	[tilespmem:s0], [sflag:$0x1] =	stream.indirect_vreg.gather [hbm4b:s2+s3], $0x80, v4, vm0, $0xb8;
	[tilespmem:$0x10080] =	vst v63  }
0x20: {  	v3 =	vperm.xlane v3, v2  }
0x21: {  	[tilespmem:s20], [sflag:$0x1] =	stream.indirect_vreg.gather [hbm4b:s4+s3], $0x80, v4, vm0, $0xb8;
	[tilespmem:$0x10080] =	vst v63  }
0x22: {  	v3 =	vadd.s32 v1, v3  }
0x23: {  	[tilespmem:s21], [sflag:$0x1] =	stream.indirect_vreg.gather [hbm4b:s5+s3], $0x80, v4, vm0, $0xb8;
	[tilespmem:$0x10080] =	vst v63  }
0x24: {  	_ = 	snop  }
0x25: {  	[tilespmem:s22], [sflag:$0x1] =	stream.indirect_vreg.gather [hbm4b:s6+s3], $0x80, v4, vm0, $0xb8;
	[tilespmem:$0x10080] =	vst v63  }
0x26: {  	_ = 	snop  }
0x27: {  	[tilespmem:s23], [sflag:$0x1] =	stream.indirect_vreg.gather [hbm4b:s2+s3], $0x80, v3, vm0, $0xb8;
	[tilespmem:$0x10080] =	vst v63  }
0x28: {  	_ = 	snop  }
0x29: {  	[tilespmem:s24], [sflag:$0x1] =	stream.indirect_vreg.gather [hbm4b:s4+s3], $0x80, v3, vm0, $0xb8;
	[tilespmem:$0x10080] =	vst v63  }
0x2a: {  	_ = 	snop  }
0x2b: {  	[tilespmem:s25], [sflag:$0x1] =	stream.indirect_vreg.gather [hbm4b:s5+s3], $0x80, v3, vm0, $0xb8;
	[tilespmem:$0x10080] =	vst v63  }
0x2c: {  	_ = 	snop  }
0x2d: {  	[tilespmem:s26], [sflag:$0x1] =	stream.indirect_vreg.gather [hbm4b:s6+s3], $0x80, v3, vm0, $0xb8;
	[tilespmem:$0x10080] =	vst v63  }
0x2e: {  	v3 =	vld [tilespmem:$0x10];
	_ =	sdelay $0x4  }
0x2f: {  	v57 =	vshll.u32 v3, $0x3  }
0x30: {  	v3 =	vand.u32 $0x7, v3;
	v4 =	vand.u32 $0xFFFFFFC0, v57  }
0x31: {  	v3 =	vor.u32 v3, v4  }
0x32: {  	v4 =	vperm.xlane v3, v0;
	_ =	sdelay $0x1  }
0x33: {  	v4 =	vadd.s32 v1, v4;
	_ =	sdelay $0x4  }
0x34: {  	[tilespmem:s28], [sflag:$0x1] =	stream.indirect_vreg.gather [hbm4b:s2+s3], $0x80, v4, vm0, $0xb8;
	[tilespmem:$0x10080] =	vst v63  }
0x35: {  	v3 =	vperm.xlane v3, v2  }
0x36: {  	[tilespmem:s29], [sflag:$0x1] =	stream.indirect_vreg.gather [hbm4b:s4+s3], $0x80, v4, vm0, $0xb8;
	[tilespmem:$0x10080] =	vst v63  }
0x37: {  	v3 =	vadd.s32 v1, v3  }
0x38: {  	[tilespmem:s30], [sflag:$0x1] =	stream.indirect_vreg.gather [hbm4b:s5+s3], $0x80, v4, vm0, $0xb8;
	[tilespmem:$0x10080] =	vst v63  }
0x39: {  	_ = 	snop  }
0x3a: {  	[tilespmem:s31], [sflag:$0x1] =	stream.indirect_vreg.gather [hbm4b:s6+s3], $0x80, v4, vm0, $0xb8;
	[tilespmem:$0x10080] =	vst v63  }
0x3b: {  	s1 =	simm.s32 $0x6080  }
0x3c: {  	[tilespmem:s1], [sflag:$0x1] =	stream.indirect_vreg.gather [hbm4b:s2+s3], $0x80, v3, vm0, $0xb8;
	[tilespmem:$0x10080] =	vst v63  }
0x3d: {  	s1 =	simm.s32 $0x6880  }
0x3e: {  	[tilespmem:s1], [sflag:$0x1] =	stream.indirect_vreg.gather [hbm4b:s4+s3], $0x80, v3, vm0, $0xb8;
	[tilespmem:$0x10080] =	vst v63  }
0x3f: {  	_ = 	snop  }
0x40: {  	[tilespmem:s10], [sflag:$0x1] =	stream.indirect_vreg.gather [hbm4b:s5+s3], $0x80, v3, vm0, $0xb8;
	[tilespmem:$0x10080] =	vst v63  }
0x41: {  	_ = 	snop  }
0x42: {  	[tilespmem:s11], [sflag:$0x1] =	stream.indirect_vreg.gather [hbm4b:s6+s3], $0x80, v3, vm0, $0xb8;
	[tilespmem:$0x10080] =	vst v63  }
0x43: {  	v3 =	vld [tilespmem:$0x20];
	_ =	sdelay $0x4  }
0x44: {  	v58 =	vshll.u32 v3, $0x3  }
0x45: {  	v3 =	vand.u32 $0x7, v3;
	v4 =	vand.u32 $0xFFFFFFC0, v58  }
0x46: {  	v3 =	vor.u32 v3, v4  }
0x47: {  	v4 =	vperm.xlane v3, v0;
	_ =	sdelay $0x1  }
0x48: {  	v4 =	vadd.s32 v1, v4;
	_ =	sdelay $0x4  }
0x49: {  	[tilespmem:s12], [sflag:$0x1] =	stream.indirect_vreg.gather [hbm4b:s2+s3], $0x80, v4, vm0, $0xb8;
	[tilespmem:$0x10080] =	vst v63  }
0x4a: {  	v3 =	vperm.xlane v3, v2  }
0x4b: {  	[tilespmem:s13], [sflag:$0x1] =	stream.indirect_vreg.gather [hbm4b:s4+s3], $0x80, v4, vm0, $0xb8;
	[tilespmem:$0x10080] =	vst v63  }
0x4c: {  	v3 =	vadd.s32 v1, v3  }
0x4d: {  	[tilespmem:s14], [sflag:$0x1] =	stream.indirect_vreg.gather [hbm4b:s5+s3], $0x80, v4, vm0, $0xb8;
	[tilespmem:$0x10080] =	vst v63  }
0x4e: {  	_ = 	snop  }
0x4f: {  	[tilespmem:s15], [sflag:$0x1] =	stream.indirect_vreg.gather [hbm4b:s6+s3], $0x80, v4, vm0, $0xb8;
	[tilespmem:$0x10080] =	vst v63  }
0x50: {  	_ = 	snop  }
0x51: {  	[tilespmem:s16], [sflag:$0x1] =	stream.indirect_vreg.gather [hbm4b:s2+s3], $0x80, v3, vm0, $0xb8;
	[tilespmem:$0x10080] =	vst v63  }
0x52: {  	_ = 	snop  }
0x53: {  	[tilespmem:s17], [sflag:$0x1] =	stream.indirect_vreg.gather [hbm4b:s4+s3], $0x80, v3, vm0, $0xb8;
	[tilespmem:$0x10080] =	vst v63  }
0x54: {  	_ = 	snop  }
0x55: {  	[tilespmem:s9], [sflag:$0x1] =	stream.indirect_vreg.gather [hbm4b:s5+s3], $0x80, v3, vm0, $0xb8;
	[tilespmem:$0x10080] =	vst v63  }
0x56: {  	s19 =	simm.s32 $0xB880  }
0x57: {  	[tilespmem:s19], [sflag:$0x1] =	stream.indirect_vreg.gather [hbm4b:s6+s3], $0x80, v3, vm0, $0xb8;
	[tilespmem:$0x10080] =	vst v63  }
0x58: {  	v3 =	vld [tilespmem:$0x30];
	_ =	sdelay $0x4  }
0x59: {  	v59 =	vshll.u32 v3, $0x3  }
0x5a: {  	v3 =	vand.u32 $0x7, v3;
	v4 =	vand.u32 $0xFFFFFFC0, v59  }
0x5b: {  	v3 =	vor.u32 v3, v4  }
0x5c: {  	v4 =	vperm.xlane v3, v0;
	_ =	sdelay $0x1  }
0x5d: {  	v4 =	vadd.s32 v1, v4;
	_ =	sdelay $0x3  }
0x5e: {  	s19 =	simm.s32 $0xC080  }
0x5f: {  	[tilespmem:s19], [sflag:$0x1] =	stream.indirect_vreg.gather [hbm4b:s2+s3], $0x80, v4, vm0, $0xb8;
	[tilespmem:$0x10080] =	vst v63  }
0x60: {  	v3 =	vperm.xlane v3, v2;
	s19 =	simm.s32 $0xC880  }
0x61: {  	[tilespmem:s19], [sflag:$0x1] =	stream.indirect_vreg.gather [hbm4b:s4+s3], $0x80, v4, vm0, $0xb8;
	[tilespmem:$0x10080] =	vst v63  }
0x62: {  	v3 =	vadd.s32 v1, v3;
	s19 =	simm.s32 $0xD080  }
0x63: {  	[tilespmem:s19], [sflag:$0x1] =	stream.indirect_vreg.gather [hbm4b:s5+s3], $0x80, v4, vm0, $0xb8;
	[tilespmem:$0x10080] =	vst v63  }
0x64: {  	s19 =	simm.s32 $0xD880  }
0x65: {  	[tilespmem:s19], [sflag:$0x1] =	stream.indirect_vreg.gather [hbm4b:s6+s3], $0x80, v4, vm0, $0xb8;
	[tilespmem:$0x10080] =	vst v63  }
0x66: {  	s19 =	simm.s32 $0xE080  }
0x67: {  	[tilespmem:s19], [sflag:$0x1] =	stream.indirect_vreg.gather [hbm4b:s2+s3], $0x80, v3, vm0, $0xb8;
	[tilespmem:$0x10080] =	vst v63  }
0x68: {  	s19 =	simm.s32 $0xE880  }
0x69: {  	[tilespmem:s19], [sflag:$0x1] =	stream.indirect_vreg.gather [hbm4b:s4+s3], $0x80, v3, vm0, $0xb8;
	[tilespmem:$0x10080] =	vst v63  }
0x6a: {  	s19 =	simm.s32 $0xF080  }
0x6b: {  	[tilespmem:s19], [sflag:$0x1] =	stream.indirect_vreg.gather [hbm4b:s5+s3], $0x80, v3, vm0, $0xb8;
	[tilespmem:$0x10080] =	vst v63  }
0x6c: {  	s19 =	simm.s32 $0xF880  }
0x6d: {  	[tilespmem:s19], [sflag:$0x1] =	stream.indirect_vreg.gather [hbm4b:s6+s3], $0x80, v3, vm0, $0xb8;
	[tilespmem:$0x10080] =	vst v63  }
0x6e: {  	_ =	swait.ge [sflag:s18], $0x10000  }
0x6f: {  	[sflag:s18] =	ssyncset.done $0x0  }
0x70: {  	s19 =	rddreg [dreg:$0x4];
	[sflag:s18] =	ssyncadd.s32 $0xFFFF0000  }
0x71: {  	[hbm4b:s19+s3] =	stream.linear.scatter [tilespmem:s0], [sflag:$0x2], $0x10000, $0x38;
	[tilespmem:$0x10080] =	vst v63  }
0x72: {  	_ =	swait.ge [sflag:s8], $0x10000  }
0x73: {  	[sflag:s8] =	ssyncset.done $0x0  }
0x74: {  	s19 =	rddreg [dreg:$0x5];
	[sflag:s8] =	ssyncadd.s32 $0xFFFF0000  }
0x75: {  	[tilespmem:s3], [sflag:$0x2] =	stream.linear.gather [hbm4b:s19+s3], $0x40, $0x38;
	[tilespmem:$0x10080] =	vst v63  }
0x76: {  	_ =	swait.ge [sflag:s8], $0x40  }
0x77: {  	[sflag:s8] =	ssyncset.done $0x0  }
0x78: {  	[sflag:s8] =	ssyncadd.s32 $0xFFFFFFC0  }
0x79: {  	v3 =	vld [tilespmem:$0x0];
	_ =	sdelay $0x4  }
0x7a: {  	v60 =	vshll.u32 v3, $0x3  }
0x7b: {  	v3 =	vand.u32 $0x7, v3;
	v4 =	vand.u32 $0xFFFFFFC0, v60  }
0x7c: {  	v3 =	vor.u32 v3, v4  }
0x7d: {  	v4 =	vperm.xlane v3, v0;
	_ =	sdelay $0x1  }
0x7e: {  	v4 =	vadd.s32 v1, v4;
	_ =	sdelay $0x4  }
0x7f: {  	[tilespmem:s0], [sflag:$0x1] =	stream.indirect_vreg.gather [hbm4b:s2+s3], $0x80, v4, vm0, $0xb8;
	[tilespmem:$0x10080] =	vst v63  }
0x80: {  	v3 =	vperm.xlane v3, v2  }
0x81: {  	[tilespmem:s20], [sflag:$0x1] =	stream.indirect_vreg.gather [hbm4b:s4+s3], $0x80, v4, vm0, $0xb8;
	[tilespmem:$0x10080] =	vst v63  }
0x82: {  	v3 =	vadd.s32 v1, v3  }
0x83: {  	[tilespmem:s21], [sflag:$0x1] =	stream.indirect_vreg.gather [hbm4b:s5+s3], $0x80, v4, vm0, $0xb8;
	[tilespmem:$0x10080] =	vst v63  }
0x84: {  	_ = 	snop  }
0x85: {  	[tilespmem:s22], [sflag:$0x1] =	stream.indirect_vreg.gather [hbm4b:s6+s3], $0x80, v4, vm0, $0xb8;
	[tilespmem:$0x10080] =	vst v63  }
0x86: {  	_ = 	snop  }
0x87: {  	[tilespmem:s23], [sflag:$0x1] =	stream.indirect_vreg.gather [hbm4b:s2+s3], $0x80, v3, vm0, $0xb8;
	[tilespmem:$0x10080] =	vst v63  }
0x88: {  	_ = 	snop  }
0x89: {  	[tilespmem:s24], [sflag:$0x1] =	stream.indirect_vreg.gather [hbm4b:s4+s3], $0x80, v3, vm0, $0xb8;
	[tilespmem:$0x10080] =	vst v63  }
0x8a: {  	_ = 	snop  }
0x8b: {  	[tilespmem:s25], [sflag:$0x1] =	stream.indirect_vreg.gather [hbm4b:s5+s3], $0x80, v3, vm0, $0xb8;
	[tilespmem:$0x10080] =	vst v63  }
0x8c: {  	_ = 	snop  }
0x8d: {  	[tilespmem:s26], [sflag:$0x1] =	stream.indirect_vreg.gather [hbm4b:s6+s3], $0x80, v3, vm0, $0xb8;
	[tilespmem:$0x10080] =	vst v63  }
0x8e: {  	v3 =	vld [tilespmem:$0x10];
	_ =	sdelay $0x4  }
0x8f: {  	v61 =	vshll.u32 v3, $0x3  }
0x90: {  	v3 =	vand.u32 $0x7, v3;
	v4 =	vand.u32 $0xFFFFFFC0, v61  }
0x91: {  	v3 =	vor.u32 v3, v4  }
0x92: {  	v4 =	vperm.xlane v3, v0;
	_ =	sdelay $0x1  }
0x93: {  	v4 =	vadd.s32 v1, v4;
	_ =	sdelay $0x4  }
0x94: {  	[tilespmem:s28], [sflag:$0x1] =	stream.indirect_vreg.gather [hbm4b:s2+s3], $0x80, v4, vm0, $0xb8;
	[tilespmem:$0x10080] =	vst v63  }
0x95: {  	v3 =	vperm.xlane v3, v2  }
0x96: {  	[tilespmem:s29], [sflag:$0x1] =	stream.indirect_vreg.gather [hbm4b:s4+s3], $0x80, v4, vm0, $0xb8;
	[tilespmem:$0x10080] =	vst v63  }
0x97: {  	v3 =	vadd.s32 v1, v3  }
0x98: {  	[tilespmem:s30], [sflag:$0x1] =	stream.indirect_vreg.gather [hbm4b:s5+s3], $0x80, v4, vm0, $0xb8;
	[tilespmem:$0x10080] =	vst v63  }
0x99: {  	_ = 	snop  }
0x9a: {  	[tilespmem:s31], [sflag:$0x1] =	stream.indirect_vreg.gather [hbm4b:s6+s3], $0x80, v4, vm0, $0xb8;
	[tilespmem:$0x10080] =	vst v63  }
0x9b: {  	s19 =	simm.s32 $0x6080  }
0x9c: {  	[tilespmem:s19], [sflag:$0x1] =	stream.indirect_vreg.gather [hbm4b:s2+s3], $0x80, v3, vm0, $0xb8;
	[tilespmem:$0x10080] =	vst v63  }
0x9d: {  	_ = 	snop  }
0x9e: {  	[tilespmem:s1], [sflag:$0x1] =	stream.indirect_vreg.gather [hbm4b:s4+s3], $0x80, v3, vm0, $0xb8;
	[tilespmem:$0x10080] =	vst v63  }
0x9f: {  	_ = 	snop  }
0xa0: {  	[tilespmem:s10], [sflag:$0x1] =	stream.indirect_vreg.gather [hbm4b:s5+s3], $0x80, v3, vm0, $0xb8;
	[tilespmem:$0x10080] =	vst v63  }
0xa1: {  	_ = 	snop  }
0xa2: {  	[tilespmem:s11], [sflag:$0x1] =	stream.indirect_vreg.gather [hbm4b:s6+s3], $0x80, v3, vm0, $0xb8;
	[tilespmem:$0x10080] =	vst v63  }
0xa3: {  	v3 =	vld [tilespmem:$0x20];
	_ =	sdelay $0x4  }
0xa4: {  	v62 =	vshll.u32 v3, $0x3  }
0xa5: {  	v3 =	vand.u32 $0x7, v3;
	v4 =	vand.u32 $0xFFFFFFC0, v62  }
0xa6: {  	v3 =	vor.u32 v3, v4  }
0xa7: {  	v4 =	vperm.xlane v3, v0;
	_ =	sdelay $0x1  }
0xa8: {  	v4 =	vadd.s32 v1, v4;
	_ =	sdelay $0x4  }
0xa9: {  	[tilespmem:s12], [sflag:$0x1] =	stream.indirect_vreg.gather [hbm4b:s2+s3], $0x80, v4, vm0, $0xb8;
	[tilespmem:$0x10080] =	vst v63  }
0xaa: {  	v3 =	vperm.xlane v3, v2  }
0xab: {  	[tilespmem:s13], [sflag:$0x1] =	stream.indirect_vreg.gather [hbm4b:s4+s3], $0x80, v4, vm0, $0xb8;
	[tilespmem:$0x10080] =	vst v63  }
0xac: {  	v3 =	vadd.s32 v1, v3  }
0xad: {  	[tilespmem:s14], [sflag:$0x1] =	stream.indirect_vreg.gather [hbm4b:s5+s3], $0x80, v4, vm0, $0xb8;
	[tilespmem:$0x10080] =	vst v63  }
0xae: {  	_ = 	snop  }
0xaf: {  	[tilespmem:s15], [sflag:$0x1] =	stream.indirect_vreg.gather [hbm4b:s6+s3], $0x80, v4, vm0, $0xb8;
	[tilespmem:$0x10080] =	vst v63  }
0xb0: {  	_ = 	snop  }
0xb1: {  	[tilespmem:s16], [sflag:$0x1] =	stream.indirect_vreg.gather [hbm4b:s2+s3], $0x80, v3, vm0, $0xb8;
	[tilespmem:$0x10080] =	vst v63  }
0xb2: {  	_ = 	snop  }
0xb3: {  	[tilespmem:s17], [sflag:$0x1] =	stream.indirect_vreg.gather [hbm4b:s4+s3], $0x80, v3, vm0, $0xb8;
	[tilespmem:$0x10080] =	vst v63  }
0xb4: {  	_ = 	snop  }
0xb5: {  	[tilespmem:s9], [sflag:$0x1] =	stream.indirect_vreg.gather [hbm4b:s5+s3], $0x80, v3, vm0, $0xb8;
	[tilespmem:$0x10080] =	vst v63  }
0xb6: {  	s19 =	simm.s32 $0xB880  }
0xb7: {  	[tilespmem:s19], [sflag:$0x1] =	stream.indirect_vreg.gather [hbm4b:s6+s3], $0x80, v3, vm0, $0xb8;
	[tilespmem:$0x10080] =	vst v63  }
0xb8: {  	v3 =	vld [tilespmem:$0x30];
	_ =	sdelay $0x4  }
0xb9: {  	v63 =	vshll.u32 v3, $0x3  }
0xba: {  	v3 =	vand.u32 $0x7, v3;
	v4 =	vand.u32 $0xFFFFFFC0, v63  }
0xbb: {  	v3 =	vor.u32 v3, v4  }
0xbc: {  	v4 =	vperm.xlane v3, v0;
	_ =	sdelay $0x1  }
0xbd: {  	v4 =	vadd.s32 v1, v4;
	_ =	sdelay $0x3  }
0xbe: {  	s19 =	simm.s32 $0xC080  }
0xbf: {  	[tilespmem:s19], [sflag:$0x1] =	stream.indirect_vreg.gather [hbm4b:s2+s3], $0x80, v4, vm0, $0xb8;
	[tilespmem:$0x10080] =	vst v63  }
0xc0: {  	v3 =	vperm.xlane v3, v2;
	s19 =	simm.s32 $0xC880  }
0xc1: {  	[tilespmem:s19], [sflag:$0x1] =	stream.indirect_vreg.gather [hbm4b:s4+s3], $0x80, v4, vm0, $0xb8;
	[tilespmem:$0x10080] =	vst v63  }
0xc2: {  	v3 =	vadd.s32 v1, v3;
	s19 =	simm.s32 $0xD080  }
0xc3: {  	[tilespmem:s19], [sflag:$0x1] =	stream.indirect_vreg.gather [hbm4b:s5+s3], $0x80, v4, vm0, $0xb8;
	[tilespmem:$0x10080] =	vst v63  }
0xc4: {  	s19 =	simm.s32 $0xD880  }
0xc5: {  	[tilespmem:s19], [sflag:$0x1] =	stream.indirect_vreg.gather [hbm4b:s6+s3], $0x80, v4, vm0, $0xb8;
	[tilespmem:$0x10080] =	vst v63  }
0xc6: {  	s19 =	simm.s32 $0xE080  }
0xc7: {  	[tilespmem:s19], [sflag:$0x1] =	stream.indirect_vreg.gather [hbm4b:s2+s3], $0x80, v3, vm0, $0xb8;
	[tilespmem:$0x10080] =	vst v63  }
0xc8: {  	s19 =	simm.s32 $0xE880  }
0xc9: {  	[tilespmem:s19], [sflag:$0x1] =	stream.indirect_vreg.gather [hbm4b:s4+s3], $0x80, v3, vm0, $0xb8;
	[tilespmem:$0x10080] =	vst v63  }
0xca: {  	s19 =	simm.s32 $0xF080  }
0xcb: {  	[tilespmem:s19], [sflag:$0x1] =	stream.indirect_vreg.gather [hbm4b:s5+s3], $0x80, v3, vm0, $0xb8;
	[tilespmem:$0x10080] =	vst v63  }
0xcc: {  	s19 =	simm.s32 $0xF880  }
0xcd: {  	[tilespmem:s19], [sflag:$0x1] =	stream.indirect_vreg.gather [hbm4b:s6+s3], $0x80, v3, vm0, $0xb8;
	[tilespmem:$0x10080] =	vst v63  }
0xce: {  	_ =	swait.ge [sflag:s18], $0x10000  }
0xcf: {  	p0 =	sne.s32 s7, $0x1;
	[sflag:s18] =	ssyncset.done $0x0  }
.Ltmp0:
0xd0: {  	s1 =	rddreg [dreg:$0x6];
	[sflag:s18] =	ssyncadd.s32 $0xFFFF0000;
	(pc) =	sbr.rel @p0 .LBB2_1-.Ltmp0, $4  }
0xd1: {  	[hbm4b:s1+s3] =	stream.linear.scatter [tilespmem:s0], [sflag:$0x2], $0x10000, $0x38;
	[tilespmem:$0x10080] =	vst v63  }
0xd2: {  	_ =	swait.ge [sflag:s8], $0x10000  }
0xd3: {  	[sflag:s8] =	ssyncset.done $0x0  }
0xd4: {  	s7 =	sadd.s32 $0xFFFFFFFF, s7;
	[sflag:s8] =	ssyncadd.s32 $0xFFFF0000  }
0xd5: {  	_ =	sfence.sel $0x180000  }
0xd6: {  	[bflag:$0x0] =	sbarrier.arrive $0xFFFF  }
0xd7: {  	_ =	strace $0x9000004A  }
0xd8: {  	s0 =	stileid.u32;
	[bflag:$0x2] =	sbarrier.arrive $0xFFFF  }
0xd9: {  	p0 =	sne.s32 s0, $0x0;
	s0 =	rddreg [dreg:$0x2]  }
0xda: {  	s0 =	sadd.s32 @!p0 $0x100000, s0  }
0xdb: {  	[sflag:s0] =	ssyncadd.tile.s32 @!p0 $0x1;
	_ =	shalt  }
.Lfunc_end2:
_tile_overlayer_lowered:
.L_overlay_start_2:
0xdc: {  	(tag) =	ssettag $0x2  }
0xdd: {  	s0 =	rddreg [dreg:$0x0];
	s2 =	stileid.u32  }
0xde: {  	s1 =	rddreg [dreg:$0x1];
	p0 =	sne.s32 s2, $0x0  }
0xdf: {  	s3 =	rddreg [dreg:$0x2];
	[bflag:$0x3] =	sbarrier.arrive $0xFFFF;
	s2 =	simm.s32 @!p0 $0x1C02  }
0xe0: {  	[timem:s3], [sflag:s2] =	dma.local @!p0 [hbm:s0], s1  }
0xe1: {  	s0 =	simm.s32 @!p0 $0x2  }
0xe2: {  	_ =	swait.ge @!p0 [sflag:s0], s1  }
0xe3: {  	s1 =	ssub.s32 @!p0 $0x0, s1;
	[sflag:s0] =	ssyncset.done @!p0 $0x0  }
0xe4: {  	[sflag:s0] =	ssyncadd.s32 @!p0 s1  }
0xe5: {  	[bflag:$0x3] =	sbarrier.arrive $0xFFFF  }
0xe6: {  	_ =	shalt  }

// kernel: kernel.7.cloned.1.call-start
scs
__scs_entry_jumppad:
0x0: {  	(pc) =	sbr.rel $0x88, $3  }
0x1: {  	(tag) =	ssettag $0x0;
	lr =	simm.s32 $0x1  }
0x2: {  	[smem:$0x3F9C] =	sst lr;
	_ =	strace $0xD0000000  }
0x3: {  	_ = 	snop  }
0x4: {  	_ = 	snop  }
0x5: {  	_ = 	snop  }
0x6: {  	_ = 	snop  }
0x7: {  	_ = 	snop  }
__scs_overlays_trampoline_lowered:
0x8: {  	[smem:$0x3FAB] =	sst s0  }
0x9: {  	[smem:$0x3FAC] =	sst s1  }
0xa: {  	[smem:$0x3FAD] =	sst s2  }
0xb: {  	[smem:$0x3FAE] =	sst s3  }
0xc: {  	[smem:$0x3FAF] =	sst s4  }
0xd: {  	[smem:$0x3FB0] =	sst s5  }
0xe: {  	[smem:$0x3FB1] =	sst s6  }
0xf: {  	[smem:$0x3FB2] =	sst s7  }
0x10: {  	[smem:$0x3FB3] =	sst s8  }
0x11: {  	[smem:$0x3FB4] =	sst s9;
	s0 =	simm.s32 @!p0 $0x0  }
0x12: {  	s1 =	sld [smem:$0x3F9A];
	s0 =	simm.s32 @p0 $0x1  }
0x13: {  	[smem:$0x3FB5] =	sst s0;
	s0 =	simm.s32 @!p1 $0x0  }
0x14: {  	s2 =	sld [smem:$0x3F99];
	s0 =	simm.s32 @p1 $0x1  }
0x15: {  	[smem:$0x3FB6] =	sst s0;
	s0 =	simm.s32 @!p2 $0x0  }
0x16: {  	s3 =	sld [smem:$0x3FDB];
	s0 =	simm.s32 @p2 $0x1  }
0x17: {  	s4 =	simm.s32 $0x1BF5;
	[smem:$0x3FB8] =	sst s0  }
0x18: {  	s0 =	sld [smem:$0x3F9B];
	_ =	swait.ge [sflag:s4], $0x0  }
0x19: {  	s7 =	sld [smem:$0x3F9C]  }
0x1a: {  	s8 =	sadd.s32 $0xFFFFE003, lr  }
0x1b: {  	s9 =	sadd.s32 $0xFFFFFEF7, lr;
	s5 =	simm.s32 $0xFFFFFFFF;
	p2 =	slt.u32 s8, $0xFFFFF086  }
0x1c: {  	p1 =	slt.u32 s9, $0xF7A;
	s5 =	simm.s32 @!p2 $0x0  }
0x1d: {  	s5 =	simm.s32 @p1 $0x1;
	p0 =	seq.s32 s7, s2  }
0x1e: {  	s7 =	smul.u32 @!p0 $0xF7A, s2;
	p2 =	seq.s32 @!p0 s5, $0x0  }
0x1f: {  	s9 =	smul.u32 $0xF7A, s1;
	s8 =	simm.s32 @!p0 $0x1BF5;
	p2 =	por !p2, p0  }
0x20: {  	[sflag:s8] =	ssyncset.s32 @!p0 $0xFFFFF086;
	s6 =	sadd.s32 @!p0 s3, s7;
	s7 =	simm.s32 @!p0 $0x108  }
0x21: {  	s3 =	sadd.s32 s3, s9;
	s6 =	sadd.s32 @!p0 $0x88, s6;
	s7 =	simm.s32 @p2 $0x1082  }
0x22: {  	[simem:s7], [sflag:s8] =	dma.local @!p0 [hbm:s6], $0xF7A  }
0x23: {  	s9 =	sor.u32 $0xD0000000, s2;
	s6 =	simm.s32 $0x108;
	_ =	swait.ge @!p0 [sflag:s8], $0x0  }
0x24: {  	s3 =	sadd.s32 $0x88, s3;
	s6 =	simm.s32 @!p1 $0x1082;
	[sflag:s4] =	ssyncset.s32 $0xFFFFF086  }
0x25: {  	[simem:s6], [sflag:s4] =	dma.local [hbm:s3], $0xF7A  }
0x26: {  	[smem:$0x3F9C] =	sst s1;
	(tag) =	ssettag s2;
	_ =	strace s9  }
0x27: {  	s1 =	sld [smem:$0x3FAC]  }
0x28: {  	s2 =	sld [smem:$0x3FAD]  }
0x29: {  	s4 =	sld [smem:$0x3FAF]  }
0x2a: {  	p0 =	seq.s32 s5, $0x0;
	s5 =	sld [smem:$0x3FB0]  }
0x2b: {  	s6 =	sld [smem:$0x3FB1]  }
0x2c: {  	s7 =	sld [smem:$0x3FB2]  }
0x2d: {  	s3 =	simm.s32 $0x108;
	s8 =	sld [smem:$0x3FB3]  }
0x2e: {  	s3 =	simm.s32 @!p0 $0x1082;
	s9 =	sld [smem:$0x3FB4]  }
0x2f: {  	lr =	sadd.s32 s0, s3;
	s0 =	sld [smem:$0x3FAB]  }
0x30: {  	s3 =	sld [smem:$0x3FAE]  }
0x31: {  	[smem:$0x3FB7] =	sst s10  }
0x32: {  	s10 =	sld [smem:$0x3FB5];
	_ =	sdelay $0x3  }
0x33: {  	p0 =	seq.s32 s10, $0x1;
	s10 =	sld [smem:$0x3FB7];
	_ =	sdelay $0x3  }
0x34: {  	[smem:$0x3FB7] =	sst s10  }
0x35: {  	s10 =	sld [smem:$0x3FB6];
	_ =	sdelay $0x3  }
0x36: {  	p1 =	seq.s32 s10, $0x1;
	s10 =	sld [smem:$0x3FB7];
	_ =	sdelay $0x3  }
0x37: {  	[smem:$0x3FB7] =	sst s10  }
0x38: {  	s10 =	sld [smem:$0x3FB8]  }
0x39: {  	_ = 	snop;
	(pc) =	sbr.ind lr, $3  }
0x3a: {  	_ = 	snop  }
0x3b: {  	_ = 	snop  }
0x3c: {  	p2 =	seq.s32 s10, $0x1;
	s10 =	sld [smem:$0x3FB7]  }
0x3d: {  	_ =	shalt  }
0x3e: {  	_ =	shalt  }
0x3f: {  	_ =	shalt  }
0x40: {  	_ =	shalt  }
0x41: {  	_ =	shalt  }
0x42: {  	_ =	shalt  }
0x43: {  	_ =	shalt  }
0x44: {  	_ =	shalt  }
0x45: {  	_ =	shalt  }
0x46: {  	_ =	shalt  }
0x47: {  	_ =	shalt  }
0x48: {  	_ =	shalt  }
0x49: {  	_ =	shalt  }
0x4a: {  	_ =	shalt  }
0x4b: {  	_ =	shalt  }
0x4c: {  	_ =	shalt  }
0x4d: {  	_ =	shalt  }
0x4e: {  	_ =	shalt  }
0x4f: {  	_ =	shalt  }
0x50: {  	_ =	shalt  }
0x51: {  	_ =	shalt  }
0x52: {  	_ =	shalt  }
0x53: {  	_ =	shalt  }
0x54: {  	_ =	shalt  }
0x55: {  	_ =	shalt  }
0x56: {  	_ =	shalt  }
0x57: {  	_ =	shalt  }
0x58: {  	_ =	shalt  }
0x59: {  	_ =	shalt  }
0x5a: {  	_ =	shalt  }
0x5b: {  	_ =	shalt  }
0x5c: {  	_ =	shalt  }
0x5d: {  	_ =	shalt  }
0x5e: {  	_ =	shalt  }
0x5f: {  	_ =	shalt  }
0x60: {  	_ =	shalt  }
0x61: {  	_ =	shalt  }
0x62: {  	_ =	shalt  }
0x63: {  	_ =	shalt  }
0x64: {  	_ =	shalt  }
0x65: {  	_ =	shalt  }
0x66: {  	_ =	shalt  }
0x67: {  	_ =	shalt  }
0x68: {  	_ =	shalt  }
0x69: {  	_ =	shalt  }
0x6a: {  	_ =	shalt  }
0x6b: {  	_ =	shalt  }
0x6c: {  	_ =	shalt  }
0x6d: {  	_ =	shalt  }
0x6e: {  	_ =	shalt  }
0x6f: {  	_ =	shalt  }
0x70: {  	_ =	shalt  }
0x71: {  	_ =	shalt  }
0x72: {  	_ =	shalt  }
0x73: {  	_ =	shalt  }
0x74: {  	_ =	shalt  }
0x75: {  	_ =	shalt  }
0x76: {  	_ =	shalt  }
0x77: {  	_ =	shalt  }
0x78: {  	_ =	shalt  }
0x79: {  	_ =	shalt  }
0x7a: {  	_ =	shalt  }
0x7b: {  	_ =	shalt  }
0x7c: {  	_ =	shalt  }
0x7d: {  	_ =	shalt  }
0x7e: {  	_ =	shalt  }
0x7f: {  	_ =	shalt  }
0x80: {  	_ =	shalt  }
0x81: {  	_ =	shalt  }
0x82: {  	_ =	shalt  }
0x83: {  	_ =	shalt  }
0x84: {  	_ =	shalt  }
0x85: {  	_ =	shalt  }
0x86: {  	_ =	shalt  }
0x87: {  	_ =	shalt  }
.Lfunc_end0:
.L_simem_size_0:
called_computation_lowered:
.L_overlay_start_0:
0x88: {  	s2 =	sld [smem:$0x3FD9]  }
0x89: {  	s3 =	sld [smem:$0x3FFE];
	_ =	sdelay $0x1  }
0x8a: {  	s1 =	srdreg.scid  }
0x8b: {  	s0 =	sand.u32 $0x1, s1  }
0x8c: {  	s17 =	sshll.u32 s0, $0xA;
	s2 =	sadd.s32 s3, s2  }
0x8d: {  	s2 =	sadd.s32 s2, s17  }
0x8e: {  	[smem:$0x3FC3] =	sst s2  }
0x8f: {  	_ = 	snop  }
0x90: {  	s2 =	sld [smem:$0x3FC7];
	(tm) =	ssettm $0x1  }
0x91: {  	s18 =	sld [smem:$0x3FFB];
	_ =	sdelay $0x3  }
0x92: {  	_ =	strace s18  }
0x93: {  	s3 =	sld [smem:$0x3FFC];
	_ =	sdelay $0x3  }
0x94: {  	_ =	strace s3  }
0x95: {  	s3 =	sld [smem:$0x3FFD];
	_ =	sdelay $0x3  }
0x96: {  	_ =	strace s3  }
0x97: {  	_ =	strace $0x8FFFFFFF  }
0x98: {  	s19 =	sld [smem:$0x3FDB];
	_ =	sdelay $0x1  }
0x99: {  	s4 =	simm.s32 $_scs_section_size  }
0x9a: {  	s5 =	simm.s32 $_size__tile_overlayer_lowered;
	s6 =	simm.s32 $_tile_overlayer_lowered  }
0x9b: {  	s22 =	simm.s32 $0x1BFF;
	s21 =	sshll.u32 s6, $0x1;
	s3 =	sadd.s32 s4, s19  }
0x9c: {  	s7 =	simm.s32 $0x0;
	s20 =	sshll.u32 s5, $0x1;
	s5 =	sadd.s32 s21, s3  }
0x9d: {  	[timem:s7], [sflag:s22] =	dma.local [hbm:s5], s20  }
0x9e: {  	_ =	swait.ge [sflag:s22], s20  }
0x9f: {  	s4 =	ssub.s32 $0x0, s20;
	[sflag:s22] =	ssyncset.done $0x0  }
0xa0: {  	[sflag:s22] =	ssyncadd.s32 s4;
	_ =	sdelay $0x1  }
0xa1: {  	s23 =	simm.s32 $0x1B8B  }
0xa2: {  	_ =	swait.ge [sflag:s23], $0x1  }
0xa3: {  	[sflag:s23] =	ssyncset.done $0x0  }
0xa4: {  	s25 =	simm.s32 $0x1B8E;
	s24 =	sld [smem:$0x3FFE];
	[sflag:s23] =	ssyncadd.s32 $0xFFFFFFFF  }
0xa5: {  	s26 =	simm.s32 $execute0_lowered;
	[smem:$0x3FD2] =	sst s25  }
0xa6: {  	s5 =	sshll.u32 s26, $0x1;
	_ =	strace $0x80000046;
	[dreg:$0x1] =	wrdreg $0xFFFFFFFF  }
0xa7: {  	s28 =	simm.s32 $_size_execute0_lowered;
	s3 =	sadd.s32 s3, s5;
	[dreg:$0x0] =	wrdreg $0x0  }
0xa8: {  	s5 =	sshll.u32 s28, $0x1;
	[dreg:$0x2] =	wrdreg s3  }
0xa9: {  	[dreg:$0x3] =	wrdreg s5  }
0xaa: {  	[dreg:$0x4] =	wrdreg $0xC0  }
0xab: {  	_ =	task [dreg:s7], $0x5FFFF  }
0xac: {  	[dreg:$0x1] =	wrdreg $0xFFFFFFFF  }
0xad: {  	[dreg:$0x0] =	wrdreg $0x60  }
0xae: {  	[dreg:$0x2] =	wrdreg s24  }
0xaf: {  	[dreg:$0x3] =	wrdreg s2  }
0xb0: {  	[dreg:$0x4] =	wrdreg $0x9  }
0xb1: {  	_ =	task.clear_ibuf [dreg:s7], $0x5FFFF;
	_ =	strace $0x90000046  }
0xb2: {  	s29 =	simm.s32 $0x9;
	_ =	strace $0x80000048  }
0xb3: {  	_ =	swait.ge [sflag:s29], $0x1  }
0xb4: {  	[sflag:s29] =	ssyncadd.s32 $0xFFFFFFFF  }
0xb5: {  	_ =	strace $0x90000048  }
0xb6: {  	_ =	sfence  }
0xb7: {  	s30 =	sld [smem:$0x0];
	_ =	sdelay $0x2  }
0xb8: {  	s31 =	sshll.u32 s1, $0xD;
	s1 =	sshrl.u32 s1, $0x2  }
0xb9: {  	s3 =	sand.u32 $0x4000, s31;
	s1 =	sadd.s32 s1, s30  }
0xba: {  	s0 =	sor.u32 s3, s0;
	s1 =	sshll.u32 s1, $0x11  }
0xbb: {  	s0 =	sor.u32 s1, s0  }
0xbc: {  	s0 =	sadd.s32 $0x8F2B, s0  }
0xbd: {  	[sflag:s0] =	ssyncadd.remote.s32 $0x1  }
0xbe: {  	_ =	sfence.sel $0xFFFF  }
0xbf: {  	[dreg:$0x0] =	wrdreg $0xFFFFFFFF;
	(pc) =	sbr.abs _section_cstart, $3  }
0xc0: {  	[dreg:$0x1] =	wrdreg $0xFFFFFFFF  }
0xc1: {  	_ =	task.clear_ibuf [dreg:s7], $0x2FFFF;
	_ =	strace $0x9FFFFFFF  }
0xc2: {  	(tm) =	ssettm $0x7FFFFFFF  }
0xc3: {  	_ =	shalt  }
tec
execute0_lowered:
.L_overlay_start_1:
0x0: {  	(tag) =	ssettag $0x1  }
0x1: {  	s0 =	rddreg [dreg:$0x0]  }
0x2: {  	s2 =	rddreg [dreg:$0x1]  }
0x3: {  	s1 =	srdreg.scid;
	s4 =	stileid.u32;
	s3 =	simm.s32 $0x0  }
0x4: {  	s18 =	simm.s32 $0x1;
	s20 =	simm.s32 $0x880;
	s21 =	simm.s32 $0x1080  }
0x5: {  	s22 =	simm.s32 $0x1880;
	s23 =	simm.s32 $0x2080;
	s24 =	simm.s32 $0x2880  }
0x6: {  	s28 =	simm.s32 $0x4080;
	s29 =	simm.s32 $0x4880;
	s30 =	simm.s32 $0x5080  }
0x7: {  	s31 =	simm.s32 $0x5880;
	s10 =	simm.s32 $0x7080;
	s11 =	simm.s32 $0x7880  }
0x8: {  	s12 =	simm.s32 $0x8080;
	s13 =	simm.s32 $0x8880;
	s14 =	simm.s32 $0x9080  }
0x9: {  	s15 =	simm.s32 $0x9880;
	s16 =	simm.s32 $0xA080;
	s17 =	simm.s32 $0xA880  }
0xa: {  	s1 =	sand.u32 $0x1, s1;
	s4 =	sshll.u32 s4, $0x8;
	[smem:$0x7FF] =	sst s3  }
0xb: {  	s6 =	sadd.s32 $0x1400, s0;
	s5 =	sshll.u32 s1, $0x7;
	s1 =	ssub.s32 $0x2, s1  }
0xc: {  	s0 =	sadd.s32 $0x1800, s0;
	s5 =	sor.u32 s5, s4;
	s7 =	sshrl.u32 s1, $0x1  }
0xd: {  	_ =	strace $0x80000047;
	s4 =	sshrl.u32 s5, $0x3;
	s1 =	ssub.s32 s1, s7  }
0xe: {  	s25 =	sshll.u32 s5, $0x7;
	s8 =	sor.u32 $0x40, s5;
	s5 =	sadd.s32 $0x200, s2  }
0xf: {  	s4 =	sadd.s32 s6, s4;
	s7 =	sadd.s32 s0, s25;
	s9 =	sshrl.u32 s8, $0x3  }
0x10: {  	s8 =	sshll.u32 s8, $0x7;
	s25 =	simm.s32 $0x3080;
	[dreg:$0x3] =	wrdreg s4  }
0x11: {  	s4 =	sadd.s32 $0x100, s2;
	[dreg:$0x4] =	wrdreg s7;
	s26 =	sadd.s32 s6, s9  }
0x12: {  	v2 =	vlaneseq.u32;
	s6 =	sadd.s32 $0x300, s2;
	s0 =	sadd.s32 s0, s8;
	s7 =	smax.u32 s1, $0x1  }
0x13: {  	vm0 =	vmmov $0xffff;
	v1 =	vshrl.u32 v2, $0x3;
	s8 =	simm.s32 $0x2;
	s9 =	simm.s32 $0xB080;
	[dreg:$0x5] =	wrdreg s26  }
0x14: {  	v0 =	vand.u32 $0x7, v2;
	v2 =	vor.u32 $0x8, v2;
	v1 =	vmul.u32 $0x8, v1;
	[dreg:$0x6] =	wrdreg s0;
	s0 =	simm.s32 $0x80;
	s26 =	simm.s32 $0x3880  }
.LBB2_1:
0x15: {  	s19 =	rddreg [dreg:$0x3]  }
0x16: {  	[tilespmem:s3], [sflag:$0x2] =	stream.linear.gather [hbm4b:s19+s3], $0x40, $0x38;
	[tilespmem:$0x10080] =	vst v63  }
0x17: {  	_ =	swait.ge [sflag:s8], $0x40  }
0x18: {  	[sflag:s8] =	ssyncset.done $0x0  }
0x19: {  	[sflag:s8] =	ssyncadd.s32 $0xFFFFFFC0  }
0x1a: {  	v3 =	vld [tilespmem:$0x0];
	_ =	sdelay $0x4  }
0x1b: {  	v4 =	vshll.u32 v3, $0x3  }
0x1c: {  	v3 =	vand.u32 $0x7, v3;
	v4 =	vand.u32 $0xFFFFFFC0, v4  }
0x1d: {  	v3 =	vor.u32 v3, v4  }
0x1e: {  	v4 =	vperm.xlane v3, v0;
	_ =	sdelay $0x1  }
0x1f: {  	v4 =	vadd.s32 v1, v4;
	_ =	sdelay $0x4  }
0x20: {  	[tilespmem:s0], [sflag:$0x1] =	stream.indirect_vreg.gather [hbm4b:s2+s3], $0x80, v4, vm0, $0xb8;
	[tilespmem:$0x10080] =	vst v63  }
0x21: {  	v3 =	vperm.xlane v3, v2  }
0x22: {  	[tilespmem:s20], [sflag:$0x1] =	stream.indirect_vreg.gather [hbm4b:s4+s3], $0x80, v4, vm0, $0xb8;
	[tilespmem:$0x10080] =	vst v63  }
0x23: {  	v3 =	vadd.s32 v1, v3  }
0x24: {  	[tilespmem:s21], [sflag:$0x1] =	stream.indirect_vreg.gather [hbm4b:s5+s3], $0x80, v4, vm0, $0xb8;
	[tilespmem:$0x10080] =	vst v63  }
0x25: {  	_ = 	snop  }
0x26: {  	[tilespmem:s22], [sflag:$0x1] =	stream.indirect_vreg.gather [hbm4b:s6+s3], $0x80, v4, vm0, $0xb8;
	[tilespmem:$0x10080] =	vst v63  }
0x27: {  	_ = 	snop  }
0x28: {  	[tilespmem:s23], [sflag:$0x1] =	stream.indirect_vreg.gather [hbm4b:s2+s3], $0x80, v3, vm0, $0xb8;
	[tilespmem:$0x10080] =	vst v63  }
0x29: {  	_ = 	snop  }
0x2a: {  	[tilespmem:s24], [sflag:$0x1] =	stream.indirect_vreg.gather [hbm4b:s4+s3], $0x80, v3, vm0, $0xb8;
	[tilespmem:$0x10080] =	vst v63  }
0x2b: {  	_ = 	snop  }
0x2c: {  	[tilespmem:s25], [sflag:$0x1] =	stream.indirect_vreg.gather [hbm4b:s5+s3], $0x80, v3, vm0, $0xb8;
	[tilespmem:$0x10080] =	vst v63  }
0x2d: {  	_ = 	snop  }
0x2e: {  	[tilespmem:s26], [sflag:$0x1] =	stream.indirect_vreg.gather [hbm4b:s6+s3], $0x80, v3, vm0, $0xb8;
	[tilespmem:$0x10080] =	vst v63  }
0x2f: {  	v3 =	vld [tilespmem:$0x10];
	_ =	sdelay $0x4  }
0x30: {  	v57 =	vshll.u32 v3, $0x3  }
0x31: {  	v3 =	vand.u32 $0x7, v3;
	v4 =	vand.u32 $0xFFFFFFC0, v57  }
0x32: {  	v3 =	vor.u32 v3, v4  }
0x33: {  	v4 =	vperm.xlane v3, v0;
	_ =	sdelay $0x1  }
0x34: {  	v4 =	vadd.s32 v1, v4;
	_ =	sdelay $0x4  }
0x35: {  	[tilespmem:s28], [sflag:$0x1] =	stream.indirect_vreg.gather [hbm4b:s2+s3], $0x80, v4, vm0, $0xb8;
	[tilespmem:$0x10080] =	vst v63  }
0x36: {  	v3 =	vperm.xlane v3, v2  }
0x37: {  	[tilespmem:s29], [sflag:$0x1] =	stream.indirect_vreg.gather [hbm4b:s4+s3], $0x80, v4, vm0, $0xb8;
	[tilespmem:$0x10080] =	vst v63  }
0x38: {  	v3 =	vadd.s32 v1, v3  }
0x39: {  	[tilespmem:s30], [sflag:$0x1] =	stream.indirect_vreg.gather [hbm4b:s5+s3], $0x80, v4, vm0, $0xb8;
	[tilespmem:$0x10080] =	vst v63  }
0x3a: {  	_ = 	snop  }
0x3b: {  	[tilespmem:s31], [sflag:$0x1] =	stream.indirect_vreg.gather [hbm4b:s6+s3], $0x80, v4, vm0, $0xb8;
	[tilespmem:$0x10080] =	vst v63  }
0x3c: {  	s1 =	simm.s32 $0x6080  }
0x3d: {  	[tilespmem:s1], [sflag:$0x1] =	stream.indirect_vreg.gather [hbm4b:s2+s3], $0x80, v3, vm0, $0xb8;
	[tilespmem:$0x10080] =	vst v63  }
0x3e: {  	s1 =	simm.s32 $0x6880  }
0x3f: {  	[tilespmem:s1], [sflag:$0x1] =	stream.indirect_vreg.gather [hbm4b:s4+s3], $0x80, v3, vm0, $0xb8;
	[tilespmem:$0x10080] =	vst v63  }
0x40: {  	_ = 	snop  }
0x41: {  	[tilespmem:s10], [sflag:$0x1] =	stream.indirect_vreg.gather [hbm4b:s5+s3], $0x80, v3, vm0, $0xb8;
	[tilespmem:$0x10080] =	vst v63  }
0x42: {  	_ = 	snop  }
0x43: {  	[tilespmem:s11], [sflag:$0x1] =	stream.indirect_vreg.gather [hbm4b:s6+s3], $0x80, v3, vm0, $0xb8;
	[tilespmem:$0x10080] =	vst v63  }
0x44: {  	v3 =	vld [tilespmem:$0x20];
	_ =	sdelay $0x4  }
0x45: {  	v58 =	vshll.u32 v3, $0x3  }
0x46: {  	v3 =	vand.u32 $0x7, v3;
	v4 =	vand.u32 $0xFFFFFFC0, v58  }
0x47: {  	v3 =	vor.u32 v3, v4  }
0x48: {  	v4 =	vperm.xlane v3, v0;
	_ =	sdelay $0x1  }
0x49: {  	v4 =	vadd.s32 v1, v4;
	_ =	sdelay $0x4  }
0x4a: {  	[tilespmem:s12], [sflag:$0x1] =	stream.indirect_vreg.gather [hbm4b:s2+s3], $0x80, v4, vm0, $0xb8;
	[tilespmem:$0x10080] =	vst v63  }
0x4b: {  	v3 =	vperm.xlane v3, v2  }
0x4c: {  	[tilespmem:s13], [sflag:$0x1] =	stream.indirect_vreg.gather [hbm4b:s4+s3], $0x80, v4, vm0, $0xb8;
	[tilespmem:$0x10080] =	vst v63  }
0x4d: {  	v3 =	vadd.s32 v1, v3  }
0x4e: {  	[tilespmem:s14], [sflag:$0x1] =	stream.indirect_vreg.gather [hbm4b:s5+s3], $0x80, v4, vm0, $0xb8;
	[tilespmem:$0x10080] =	vst v63  }
0x4f: {  	_ = 	snop  }
0x50: {  	[tilespmem:s15], [sflag:$0x1] =	stream.indirect_vreg.gather [hbm4b:s6+s3], $0x80, v4, vm0, $0xb8;
	[tilespmem:$0x10080] =	vst v63  }
0x51: {  	_ = 	snop  }
0x52: {  	[tilespmem:s16], [sflag:$0x1] =	stream.indirect_vreg.gather [hbm4b:s2+s3], $0x80, v3, vm0, $0xb8;
	[tilespmem:$0x10080] =	vst v63  }
0x53: {  	_ = 	snop  }
0x54: {  	[tilespmem:s17], [sflag:$0x1] =	stream.indirect_vreg.gather [hbm4b:s4+s3], $0x80, v3, vm0, $0xb8;
	[tilespmem:$0x10080] =	vst v63  }
0x55: {  	_ = 	snop  }
0x56: {  	[tilespmem:s9], [sflag:$0x1] =	stream.indirect_vreg.gather [hbm4b:s5+s3], $0x80, v3, vm0, $0xb8;
	[tilespmem:$0x10080] =	vst v63  }
0x57: {  	s19 =	simm.s32 $0xB880  }
0x58: {  	[tilespmem:s19], [sflag:$0x1] =	stream.indirect_vreg.gather [hbm4b:s6+s3], $0x80, v3, vm0, $0xb8;
	[tilespmem:$0x10080] =	vst v63  }
0x59: {  	v3 =	vld [tilespmem:$0x30];
	_ =	sdelay $0x4  }
0x5a: {  	v59 =	vshll.u32 v3, $0x3  }
0x5b: {  	v3 =	vand.u32 $0x7, v3;
	v4 =	vand.u32 $0xFFFFFFC0, v59  }
0x5c: {  	v3 =	vor.u32 v3, v4  }
0x5d: {  	v4 =	vperm.xlane v3, v0;
	_ =	sdelay $0x1  }
0x5e: {  	v4 =	vadd.s32 v1, v4;
	_ =	sdelay $0x3  }
0x5f: {  	s19 =	simm.s32 $0xC080  }
0x60: {  	[tilespmem:s19], [sflag:$0x1] =	stream.indirect_vreg.gather [hbm4b:s2+s3], $0x80, v4, vm0, $0xb8;
	[tilespmem:$0x10080] =	vst v63  }
0x61: {  	v3 =	vperm.xlane v3, v2;
	s19 =	simm.s32 $0xC880  }
0x62: {  	[tilespmem:s19], [sflag:$0x1] =	stream.indirect_vreg.gather [hbm4b:s4+s3], $0x80, v4, vm0, $0xb8;
	[tilespmem:$0x10080] =	vst v63  }
0x63: {  	v3 =	vadd.s32 v1, v3;
	s19 =	simm.s32 $0xD080  }
0x64: {  	[tilespmem:s19], [sflag:$0x1] =	stream.indirect_vreg.gather [hbm4b:s5+s3], $0x80, v4, vm0, $0xb8;
	[tilespmem:$0x10080] =	vst v63  }
0x65: {  	s19 =	simm.s32 $0xD880  }
0x66: {  	[tilespmem:s19], [sflag:$0x1] =	stream.indirect_vreg.gather [hbm4b:s6+s3], $0x80, v4, vm0, $0xb8;
	[tilespmem:$0x10080] =	vst v63  }
0x67: {  	s19 =	simm.s32 $0xE080  }
0x68: {  	[tilespmem:s19], [sflag:$0x1] =	stream.indirect_vreg.gather [hbm4b:s2+s3], $0x80, v3, vm0, $0xb8;
	[tilespmem:$0x10080] =	vst v63  }
0x69: {  	s19 =	simm.s32 $0xE880  }
0x6a: {  	[tilespmem:s19], [sflag:$0x1] =	stream.indirect_vreg.gather [hbm4b:s4+s3], $0x80, v3, vm0, $0xb8;
	[tilespmem:$0x10080] =	vst v63  }
0x6b: {  	s19 =	simm.s32 $0xF080  }
0x6c: {  	[tilespmem:s19], [sflag:$0x1] =	stream.indirect_vreg.gather [hbm4b:s5+s3], $0x80, v3, vm0, $0xb8;
	[tilespmem:$0x10080] =	vst v63  }
0x6d: {  	s19 =	simm.s32 $0xF880  }
0x6e: {  	[tilespmem:s19], [sflag:$0x1] =	stream.indirect_vreg.gather [hbm4b:s6+s3], $0x80, v3, vm0, $0xb8;
	[tilespmem:$0x10080] =	vst v63  }
0x6f: {  	_ =	swait.ge [sflag:s18], $0x10000  }
0x70: {  	[sflag:s18] =	ssyncset.done $0x0  }
0x71: {  	s19 =	rddreg [dreg:$0x4];
	[sflag:s18] =	ssyncadd.s32 $0xFFFF0000  }
0x72: {  	[hbm4b:s19+s3] =	stream.linear.scatter [tilespmem:s0], [sflag:$0x2], $0x10000, $0x38;
	[tilespmem:$0x10080] =	vst v63  }
0x73: {  	_ =	swait.ge [sflag:s8], $0x10000  }
0x74: {  	[sflag:s8] =	ssyncset.done $0x0  }
0x75: {  	s19 =	rddreg [dreg:$0x5];
	[sflag:s8] =	ssyncadd.s32 $0xFFFF0000  }
0x76: {  	[tilespmem:s3], [sflag:$0x2] =	stream.linear.gather [hbm4b:s19+s3], $0x40, $0x38;
	[tilespmem:$0x10080] =	vst v63  }
0x77: {  	_ =	swait.ge [sflag:s8], $0x40  }
0x78: {  	[sflag:s8] =	ssyncset.done $0x0  }
0x79: {  	[sflag:s8] =	ssyncadd.s32 $0xFFFFFFC0  }
0x7a: {  	v3 =	vld [tilespmem:$0x0];
	_ =	sdelay $0x4  }
0x7b: {  	v60 =	vshll.u32 v3, $0x3  }
0x7c: {  	v3 =	vand.u32 $0x7, v3;
	v4 =	vand.u32 $0xFFFFFFC0, v60  }
0x7d: {  	v3 =	vor.u32 v3, v4  }
0x7e: {  	v4 =	vperm.xlane v3, v0;
	_ =	sdelay $0x1  }
0x7f: {  	v4 =	vadd.s32 v1, v4;
	_ =	sdelay $0x4  }
0x80: {  	[tilespmem:s0], [sflag:$0x1] =	stream.indirect_vreg.gather [hbm4b:s2+s3], $0x80, v4, vm0, $0xb8;
	[tilespmem:$0x10080] =	vst v63  }
0x81: {  	v3 =	vperm.xlane v3, v2  }
0x82: {  	[tilespmem:s20], [sflag:$0x1] =	stream.indirect_vreg.gather [hbm4b:s4+s3], $0x80, v4, vm0, $0xb8;
	[tilespmem:$0x10080] =	vst v63  }
0x83: {  	v3 =	vadd.s32 v1, v3  }
0x84: {  	[tilespmem:s21], [sflag:$0x1] =	stream.indirect_vreg.gather [hbm4b:s5+s3], $0x80, v4, vm0, $0xb8;
	[tilespmem:$0x10080] =	vst v63  }
0x85: {  	_ = 	snop  }
0x86: {  	[tilespmem:s22], [sflag:$0x1] =	stream.indirect_vreg.gather [hbm4b:s6+s3], $0x80, v4, vm0, $0xb8;
	[tilespmem:$0x10080] =	vst v63  }
0x87: {  	_ = 	snop  }
0x88: {  	[tilespmem:s23], [sflag:$0x1] =	stream.indirect_vreg.gather [hbm4b:s2+s3], $0x80, v3, vm0, $0xb8;
	[tilespmem:$0x10080] =	vst v63  }
0x89: {  	_ = 	snop  }
0x8a: {  	[tilespmem:s24], [sflag:$0x1] =	stream.indirect_vreg.gather [hbm4b:s4+s3], $0x80, v3, vm0, $0xb8;
	[tilespmem:$0x10080] =	vst v63  }
0x8b: {  	_ = 	snop  }
0x8c: {  	[tilespmem:s25], [sflag:$0x1] =	stream.indirect_vreg.gather [hbm4b:s5+s3], $0x80, v3, vm0, $0xb8;
	[tilespmem:$0x10080] =	vst v63  }
0x8d: {  	_ = 	snop  }
0x8e: {  	[tilespmem:s26], [sflag:$0x1] =	stream.indirect_vreg.gather [hbm4b:s6+s3], $0x80, v3, vm0, $0xb8;
	[tilespmem:$0x10080] =	vst v63  }
0x8f: {  	v3 =	vld [tilespmem:$0x10];
	_ =	sdelay $0x4  }
0x90: {  	v61 =	vshll.u32 v3, $0x3  }
0x91: {  	v3 =	vand.u32 $0x7, v3;
	v4 =	vand.u32 $0xFFFFFFC0, v61  }
0x92: {  	v3 =	vor.u32 v3, v4  }
0x93: {  	v4 =	vperm.xlane v3, v0;
	_ =	sdelay $0x1  }
0x94: {  	v4 =	vadd.s32 v1, v4;
	_ =	sdelay $0x4  }
0x95: {  	[tilespmem:s28], [sflag:$0x1] =	stream.indirect_vreg.gather [hbm4b:s2+s3], $0x80, v4, vm0, $0xb8;
	[tilespmem:$0x10080] =	vst v63  }
0x96: {  	v3 =	vperm.xlane v3, v2  }
0x97: {  	[tilespmem:s29], [sflag:$0x1] =	stream.indirect_vreg.gather [hbm4b:s4+s3], $0x80, v4, vm0, $0xb8;
	[tilespmem:$0x10080] =	vst v63  }
0x98: {  	v3 =	vadd.s32 v1, v3  }
0x99: {  	[tilespmem:s30], [sflag:$0x1] =	stream.indirect_vreg.gather [hbm4b:s5+s3], $0x80, v4, vm0, $0xb8;
	[tilespmem:$0x10080] =	vst v63  }
0x9a: {  	_ = 	snop  }
0x9b: {  	[tilespmem:s31], [sflag:$0x1] =	stream.indirect_vreg.gather [hbm4b:s6+s3], $0x80, v4, vm0, $0xb8;
	[tilespmem:$0x10080] =	vst v63  }
0x9c: {  	s19 =	simm.s32 $0x6080  }
0x9d: {  	[tilespmem:s19], [sflag:$0x1] =	stream.indirect_vreg.gather [hbm4b:s2+s3], $0x80, v3, vm0, $0xb8;
	[tilespmem:$0x10080] =	vst v63  }
0x9e: {  	_ = 	snop  }
0x9f: {  	[tilespmem:s1], [sflag:$0x1] =	stream.indirect_vreg.gather [hbm4b:s4+s3], $0x80, v3, vm0, $0xb8;
	[tilespmem:$0x10080] =	vst v63  }
0xa0: {  	_ = 	snop  }
0xa1: {  	[tilespmem:s10], [sflag:$0x1] =	stream.indirect_vreg.gather [hbm4b:s5+s3], $0x80, v3, vm0, $0xb8;
	[tilespmem:$0x10080] =	vst v63  }
0xa2: {  	_ = 	snop  }
0xa3: {  	[tilespmem:s11], [sflag:$0x1] =	stream.indirect_vreg.gather [hbm4b:s6+s3], $0x80, v3, vm0, $0xb8;
	[tilespmem:$0x10080] =	vst v63  }
0xa4: {  	v3 =	vld [tilespmem:$0x20];
	_ =	sdelay $0x4  }
0xa5: {  	v62 =	vshll.u32 v3, $0x3  }
0xa6: {  	v3 =	vand.u32 $0x7, v3;
	v4 =	vand.u32 $0xFFFFFFC0, v62  }
0xa7: {  	v3 =	vor.u32 v3, v4  }
0xa8: {  	v4 =	vperm.xlane v3, v0;
	_ =	sdelay $0x1  }
0xa9: {  	v4 =	vadd.s32 v1, v4;
	_ =	sdelay $0x4  }
0xaa: {  	[tilespmem:s12], [sflag:$0x1] =	stream.indirect_vreg.gather [hbm4b:s2+s3], $0x80, v4, vm0, $0xb8;
	[tilespmem:$0x10080] =	vst v63  }
0xab: {  	v3 =	vperm.xlane v3, v2  }
0xac: {  	[tilespmem:s13], [sflag:$0x1] =	stream.indirect_vreg.gather [hbm4b:s4+s3], $0x80, v4, vm0, $0xb8;
	[tilespmem:$0x10080] =	vst v63  }
0xad: {  	v3 =	vadd.s32 v1, v3  }
0xae: {  	[tilespmem:s14], [sflag:$0x1] =	stream.indirect_vreg.gather [hbm4b:s5+s3], $0x80, v4, vm0, $0xb8;
	[tilespmem:$0x10080] =	vst v63  }
0xaf: {  	_ = 	snop  }
0xb0: {  	[tilespmem:s15], [sflag:$0x1] =	stream.indirect_vreg.gather [hbm4b:s6+s3], $0x80, v4, vm0, $0xb8;
	[tilespmem:$0x10080] =	vst v63  }
0xb1: {  	_ = 	snop  }
0xb2: {  	[tilespmem:s16], [sflag:$0x1] =	stream.indirect_vreg.gather [hbm4b:s2+s3], $0x80, v3, vm0, $0xb8;
	[tilespmem:$0x10080] =	vst v63  }
0xb3: {  	_ = 	snop  }
0xb4: {  	[tilespmem:s17], [sflag:$0x1] =	stream.indirect_vreg.gather [hbm4b:s4+s3], $0x80, v3, vm0, $0xb8;
	[tilespmem:$0x10080] =	vst v63  }
0xb5: {  	_ = 	snop  }
0xb6: {  	[tilespmem:s9], [sflag:$0x1] =	stream.indirect_vreg.gather [hbm4b:s5+s3], $0x80, v3, vm0, $0xb8;
	[tilespmem:$0x10080] =	vst v63  }
0xb7: {  	s19 =	simm.s32 $0xB880  }
0xb8: {  	[tilespmem:s19], [sflag:$0x1] =	stream.indirect_vreg.gather [hbm4b:s6+s3], $0x80, v3, vm0, $0xb8;
	[tilespmem:$0x10080] =	vst v63  }
0xb9: {  	v3 =	vld [tilespmem:$0x30];
	_ =	sdelay $0x4  }
0xba: {  	v63 =	vshll.u32 v3, $0x3  }
0xbb: {  	v3 =	vand.u32 $0x7, v3;
	v4 =	vand.u32 $0xFFFFFFC0, v63  }
0xbc: {  	v3 =	vor.u32 v3, v4  }
0xbd: {  	v4 =	vperm.xlane v3, v0;
	_ =	sdelay $0x1  }
0xbe: {  	v4 =	vadd.s32 v1, v4;
	_ =	sdelay $0x3  }
0xbf: {  	s19 =	simm.s32 $0xC080  }
0xc0: {  	[tilespmem:s19], [sflag:$0x1] =	stream.indirect_vreg.gather [hbm4b:s2+s3], $0x80, v4, vm0, $0xb8;
	[tilespmem:$0x10080] =	vst v63  }
0xc1: {  	v3 =	vperm.xlane v3, v2;
	s19 =	simm.s32 $0xC880  }
0xc2: {  	[tilespmem:s19], [sflag:$0x1] =	stream.indirect_vreg.gather [hbm4b:s4+s3], $0x80, v4, vm0, $0xb8;
	[tilespmem:$0x10080] =	vst v63  }
0xc3: {  	v3 =	vadd.s32 v1, v3;
	s19 =	simm.s32 $0xD080  }
0xc4: {  	[tilespmem:s19], [sflag:$0x1] =	stream.indirect_vreg.gather [hbm4b:s5+s3], $0x80, v4, vm0, $0xb8;
	[tilespmem:$0x10080] =	vst v63  }
0xc5: {  	s19 =	simm.s32 $0xD880  }
0xc6: {  	[tilespmem:s19], [sflag:$0x1] =	stream.indirect_vreg.gather [hbm4b:s6+s3], $0x80, v4, vm0, $0xb8;
	[tilespmem:$0x10080] =	vst v63  }
0xc7: {  	s19 =	simm.s32 $0xE080  }
0xc8: {  	[tilespmem:s19], [sflag:$0x1] =	stream.indirect_vreg.gather [hbm4b:s2+s3], $0x80, v3, vm0, $0xb8;
	[tilespmem:$0x10080] =	vst v63  }
0xc9: {  	s19 =	simm.s32 $0xE880  }
0xca: {  	[tilespmem:s19], [sflag:$0x1] =	stream.indirect_vreg.gather [hbm4b:s4+s3], $0x80, v3, vm0, $0xb8;
	[tilespmem:$0x10080] =	vst v63  }
0xcb: {  	s19 =	simm.s32 $0xF080  }
0xcc: {  	[tilespmem:s19], [sflag:$0x1] =	stream.indirect_vreg.gather [hbm4b:s5+s3], $0x80, v3, vm0, $0xb8;
	[tilespmem:$0x10080] =	vst v63  }
0xcd: {  	s19 =	simm.s32 $0xF880  }
0xce: {  	[tilespmem:s19], [sflag:$0x1] =	stream.indirect_vreg.gather [hbm4b:s6+s3], $0x80, v3, vm0, $0xb8;
	[tilespmem:$0x10080] =	vst v63  }
0xcf: {  	_ =	swait.ge [sflag:s18], $0x10000  }
0xd0: {  	p0 =	sne.s32 s7, $0x1;
	[sflag:s18] =	ssyncset.done $0x0  }
.Ltmp0:
0xd1: {  	s1 =	rddreg [dreg:$0x6];
	[sflag:s18] =	ssyncadd.s32 $0xFFFF0000;
	(pc) =	sbr.rel @p0 .LBB2_1-.Ltmp0, $4  }
0xd2: {  	[hbm4b:s1+s3] =	stream.linear.scatter [tilespmem:s0], [sflag:$0x2], $0x10000, $0x38;
	[tilespmem:$0x10080] =	vst v63  }
0xd3: {  	_ =	swait.ge [sflag:s8], $0x10000  }
0xd4: {  	[sflag:s8] =	ssyncset.done $0x0  }
0xd5: {  	s7 =	sadd.s32 $0xFFFFFFFF, s7;
	[sflag:s8] =	ssyncadd.s32 $0xFFFF0000  }
0xd6: {  	_ =	sfence.sel $0x180000  }
0xd7: {  	[bflag:$0x0] =	sbarrier.arrive $0xFFFF  }
0xd8: {  	_ =	strace $0x90000047  }
0xd9: {  	s0 =	stileid.u32;
	[bflag:$0x2] =	sbarrier.arrive $0xFFFF  }
0xda: {  	p0 =	sne.s32 s0, $0x0;
	s0 =	rddreg [dreg:$0x2]  }
0xdb: {  	s0 =	sadd.s32 @!p0 $0x100000, s0  }
0xdc: {  	[sflag:s0] =	ssyncadd.tile.s32 @!p0 $0x1;
	_ =	shalt  }
.Lfunc_end2:
_tile_overlayer_lowered:
.L_overlay_start_2:
0xdd: {  	(tag) =	ssettag $0x2  }
0xde: {  	s0 =	rddreg [dreg:$0x0];
	s2 =	stileid.u32  }
0xdf: {  	s1 =	rddreg [dreg:$0x1];
	p0 =	sne.s32 s2, $0x0  }
0xe0: {  	s3 =	rddreg [dreg:$0x2];
	[bflag:$0x3] =	sbarrier.arrive $0xFFFF;
	s2 =	simm.s32 @!p0 $0x1C02  }
0xe1: {  	[timem:s3], [sflag:s2] =	dma.local @!p0 [hbm:s0], s1  }
0xe2: {  	s0 =	simm.s32 @!p0 $0x2  }
0xe3: {  	_ =	swait.ge @!p0 [sflag:s0], s1  }
0xe4: {  	s1 =	ssub.s32 @!p0 $0x0, s1;
	[sflag:s0] =	ssyncset.done @!p0 $0x0  }
0xe5: {  	[sflag:s0] =	ssyncadd.s32 @!p0 s1  }
0xe6: {  	[bflag:$0x3] =	sbarrier.arrive $0xFFFF  }
0xe7: {  	_ =	shalt  }

</sc_bundles>
